<compile_context>
chip_gen: v7x
topology: tpu7x:2x2x1
jax: 0.10.2.dev20260603
libtpu: 0.0.44.dev20260713+nightly
codegen_flags: <defaults>
</compile_context>

<pallas_src>
import functools

import jax
import jax.numpy as jnp
from jax import lax
from jax.experimental import pallas as pl
from jax.experimental.pallas import tpu as pltpu
from jax.experimental.pallas import tpu_sc as plsc

N = 10000
E = 320000
D_IN = 128
D_HID = 1024
D_OUT = 128
DH = 64

NC = 2
NS = 16
L = 128

EPT = 20480
EP = EPT * NS
ROWS_PER_T = EPT // L
CB = 2
NCHUNK = ROWS_PER_T // CB

N_PAD = 10112
RPT = N_PAD // NS


def _seg_sum_body(with_count, *refs):
    if with_count:
        (tab_hbm, ei_hbm, zrow_hbm, zcnt_hbm, ones_hbm,
         out_hbm, cnt_hbm,
         srcv, dstv, rows0, rows1, ones, acc, cacc,
         sem_g0, sem_g1, sem_s, sem_c) = refs
    else:
        (tab_hbm, ei_hbm, zrow_hbm,
         out_hbm,
         srcv, dstv, rows0, rows1, acc,
         sem_g0, sem_g1, sem_s) = refs

    cid = lax.axis_index("c")
    sid = lax.axis_index("s")

    pltpu.sync_copy(zrow_hbm, acc.at[pl.ds(sid * RPT, RPT)])
    if with_count:
        pltpu.sync_copy(zcnt_hbm, cacc.at[pl.ds(sid * RPT, RPT)])
        pltpu.sync_copy(ones_hbm, ones)
    row0 = sid * ROWS_PER_T
    pltpu.sync_copy(ei_hbm.at[0, pl.ds(row0, ROWS_PER_T)], srcv)
    pltpu.sync_copy(ei_hbm.at[1, pl.ds(row0, ROWS_PER_T)], dstv)
    plsc.subcore_barrier()

    def issue_gathers(buf, sem, r):
        for j in range(CB):
            pltpu.async_copy(tab_hbm.at[cid].at[srcv.at[r + j]],
                             buf.at[pl.ds(j * L, L)], sem)

    def drain_gathers(buf, sem):
        for j in range(CB):
            pltpu.make_async_copy(tab_hbm.at[cid].at[srcv.at[j]],
                                  buf.at[pl.ds(j * L, L)], sem).wait()

    def scatter_chunk(buf, r, count_core):
        for j in range(CB):
            pltpu.async_copy(buf.at[pl.ds(j * L, L)],
                             acc.at[dstv.at[r + j]], sem_s, add=True)
        if with_count:
            @pl.when(cid == count_core)
            def _():
                for j in range(CB):
                    pltpu.async_copy(ones, cacc.at[dstv.at[r + j]],
                                     sem_c, add=True)
                for j in range(CB):
                    pltpu.make_async_copy(ones, cacc.at[dstv.at[j]],
                                          sem_c).wait()
        for j in range(CB):
            pltpu.make_async_copy(buf.at[pl.ds(j * L, L)],
                                  acc.at[dstv.at[j]], sem_s).wait()

    issue_gathers(rows0, sem_g0, 0)
    issue_gathers(rows1, sem_g1, CB)

    def body(i, carry):
        r = 2 * i * CB
        drain_gathers(rows0, sem_g0)
        scatter_chunk(rows0, r, 0)

        @pl.when(r + 2 * CB < ROWS_PER_T)
        def _():
            issue_gathers(rows0, sem_g0, r + 2 * CB)

        drain_gathers(rows1, sem_g1)
        scatter_chunk(rows1, r + CB, 1)

        @pl.when(r + 3 * CB < ROWS_PER_T)
        def _():
            issue_gathers(rows1, sem_g1, r + 3 * CB)

        return carry

    lax.fori_loop(0, NCHUNK // 2, body, 0)
    plsc.subcore_barrier()

    o = pl.ds(sid * RPT, RPT)
    pltpu.sync_copy(acc.at[o], out_hbm.at[cid, o])
    if with_count:
        pltpu.sync_copy(cacc.at[o], cnt_hbm.at[cid, o])


def _make_seg_sum(with_count):
    out_type = [jax.ShapeDtypeStruct((NC, N_PAD, DH), jnp.float32)]
    scratch = [
        pltpu.VMEM((ROWS_PER_T, L), jnp.int32),
        pltpu.VMEM((ROWS_PER_T, L), jnp.int32),
        pltpu.VMEM((CB * L, DH), jnp.float32),
        pltpu.VMEM((CB * L, DH), jnp.float32),
    ]
    if with_count:
        out_type.append(jax.ShapeDtypeStruct((NC, N_PAD, 16), jnp.float32))
        scratch.append(pltpu.VMEM((L, 16), jnp.float32))
    scratch.append(pltpu.VMEM_SHARED((N_PAD, DH), jnp.float32))
    if with_count:
        scratch.append(pltpu.VMEM_SHARED((N_PAD, 16), jnp.float32))
    scratch.append(pltpu.SemaphoreType.DMA)
    scratch.append(pltpu.SemaphoreType.DMA)
    scratch.append(pltpu.SemaphoreType.DMA)
    if with_count:
        scratch.append(pltpu.SemaphoreType.DMA)

    return pl.kernel(
        functools.partial(_seg_sum_body, with_count),
        out_type=out_type,
        mesh=plsc.VectorSubcoreMesh(core_axis_name="c", subcore_axis_name="s"),
        scratch_types=scratch,
        compiler_params=pltpu.CompilerParams(use_tc_tiling_on_sc=False),
        name="seg_sum_cnt" if with_count else "seg_sum",
    )


_seg_sum_cnt = _make_seg_sum(True)
_seg_sum = _make_seg_sum(False)


BN = 1000


def _tca_body(x_ref, wr_ref, b_ref, o_ref):
    o_ref[...] = jnp.dot(x_ref[...], wr_ref[...],
                         preferred_element_type=jnp.float32) + b_ref[...]


def _tca(x, W1_r, b1):
    return pl.pallas_call(
        _tca_body,
        grid=(N // BN,),
        in_specs=[
            pl.BlockSpec((BN, D_IN), lambda i: (i, 0)),
            pl.BlockSpec((D_IN, D_HID), lambda i: (0, 0)),
            pl.BlockSpec((1, D_HID), lambda i: (0, 0)),
        ],
        out_specs=pl.BlockSpec((BN, D_HID), lambda i: (i, 0)),
        out_shape=jax.ShapeDtypeStruct((N, D_HID), jnp.float32),
    )(x, W1_r, b1.reshape(1, D_HID))


def _tc1_body(p_ref, c_ref, u_ref, wl_ref, o_ref):
    mean = jnp.concatenate([p_ref[0], p_ref[1]], axis=1)
    mean = mean / jnp.maximum(c_ref[0, :, 0:1] + c_ref[1, :, 0:1], 1.0)
    acc = jnp.dot(mean, wl_ref[...], preferred_element_type=jnp.float32)
    o_ref[...] = jnp.maximum(acc + u_ref[...], 0.0)


def _tc1(p1, c1, u, W1_l):
    return pl.pallas_call(
        _tc1_body,
        grid=(N // BN,),
        in_specs=[
            pl.BlockSpec((2, BN, DH), lambda i: (0, i, 0)),
            pl.BlockSpec((2, BN, 16), lambda i: (0, i, 0)),
            pl.BlockSpec((BN, D_HID), lambda i: (i, 0)),
            pl.BlockSpec((D_IN, D_HID), lambda i: (0, 0)),
        ],
        out_specs=pl.BlockSpec((BN, D_HID), lambda i: (i, 0)),
        out_shape=jax.ShapeDtypeStruct((N, D_HID), jnp.float32),
    )(p1, c1, u, W1_l)


def _tc2a_body(h_ref, wl_ref, z_ref):
    z = jnp.dot(h_ref[...], wl_ref[...], preferred_element_type=jnp.float32)
    z_ref[0] = z[:, :DH]
    z_ref[1] = z[:, DH:]


def _tc2a(h, W2_l):
    return pl.pallas_call(
        _tc2a_body,
        grid=(N // BN,),
        in_specs=[
            pl.BlockSpec((BN, D_HID), lambda i: (i, 0)),
            pl.BlockSpec((D_HID, D_OUT), lambda i: (0, 0)),
        ],
        out_specs=pl.BlockSpec((2, BN, DH), lambda i: (0, i, 0)),
        out_shape=jax.ShapeDtypeStruct((2, N, DH), jnp.float32),
    )(h, W2_l)


def _tc2b_body(h_ref, wr_ref, w_ref):
    w_ref[...] = jnp.dot(h_ref[...], wr_ref[...],
                         preferred_element_type=jnp.float32)


def _tc2b(h, W2_r):
    return pl.pallas_call(
        _tc2b_body,
        grid=(N // BN,),
        in_specs=[
            pl.BlockSpec((BN, D_HID), lambda i: (i, 0)),
            pl.BlockSpec((D_HID, D_OUT), lambda i: (0, 0)),
        ],
        out_specs=pl.BlockSpec((BN, D_OUT), lambda i: (i, 0)),
        out_shape=jax.ShapeDtypeStruct((N, D_OUT), jnp.float32),
    )(h, W2_r)


def _tc3_body(p_ref, c_ref, w_ref, b_ref, o_ref):
    mean = jnp.concatenate([p_ref[0], p_ref[1]], axis=1)
    cnt = jnp.maximum(c_ref[0, :, 0:1] + c_ref[1, :, 0:1], 1.0)
    o = mean / cnt + w_ref[...] + b_ref[...]
    m = jnp.max(o, axis=1, keepdims=True)
    lse = m + jnp.log(jnp.sum(jnp.exp(o - m), axis=1, keepdims=True))
    o_ref[...] = o - lse


def _tc3(p2, c1, w, b2):
    return pl.pallas_call(
        _tc3_body,
        grid=(N // BN,),
        in_specs=[
            pl.BlockSpec((2, BN, DH), lambda i: (0, i, 0)),
            pl.BlockSpec((2, BN, 16), lambda i: (0, i, 0)),
            pl.BlockSpec((BN, D_OUT), lambda i: (i, 0)),
            pl.BlockSpec((1, D_OUT), lambda i: (0, 0)),
        ],
        out_specs=pl.BlockSpec((BN, D_OUT), lambda i: (i, 0)),
        out_shape=jax.ShapeDtypeStruct((N, D_OUT), jnp.float32),
    )(p2, c1, w, b2.reshape(1, D_OUT))


def kernel(x, edge_index, W1_l, W1_r, b1, W2_l, W2_r, b2):
    ei = edge_index.astype(jnp.int32)
    pad_src = jnp.zeros((EP - E,), jnp.int32)
    pad_dst = jnp.full((EP - E,), N, jnp.int32)
    ei = jnp.concatenate([ei, jnp.stack([pad_src, pad_dst])], axis=1)
    ei = ei.reshape(2, EP // L, L)

    xt = x.reshape(N, NC, DH).transpose(1, 0, 2)

    zrow = jnp.zeros((RPT, DH), jnp.float32)
    zcnt = jnp.zeros((RPT, 16), jnp.float32)
    ones = jnp.ones((L, 16), jnp.float32)

    u = _tca(x, W1_r, b1)
    p1, c1 = _seg_sum_cnt(xt, ei, zrow, zcnt, ones)
    h = _tc1(p1, c1, u, W1_l)
    z = _tc2a(h, W2_l)
    (p2,) = _seg_sum(z, ei, zrow)
    w = _tc2b(h, W2_r)
    return _tc3(p2, c1, w, b2)

# --- scband reference (transcript-rebuilt; emitter-appended) ---
"""Pipeline reference for scband-net-3453153706086 (READ-ONLY COPY).

The authoritative reference and input builder live on the scoring server;
editing this copy changes nothing except your own understanding.
"""

import jax, jax.numpy as jnp
import numpy as np

N = 10000
E = 320000
D_IN = 128
D_HID = 1024
D_OUT = 128


def sage_conv(x, src, dst, W_l, W_r, b, num_nodes):
    # PyG SAGEConv (aggr='mean', normalize=False, root_weight=True):
    #   out = lin_l(mean_{j in N(i)} x_j) + lin_r(x_i)
    msg = x[src]  # gather source-node features per edge
    s = jax.ops.segment_sum(msg, dst, num_segments=num_nodes)
    cnt = jax.ops.segment_sum(jnp.ones((src.shape[0], 1), x.dtype), dst, num_segments=num_nodes)
    mean = s / jnp.maximum(cnt, 1.0)
    return mean @ W_l + b + x @ W_r


def setup_inputs(seed: int = 0) -> dict:
    key = jax.random.key(seed)
    k1, k2, k3, k4, k5, k6, k7, k8 = jax.random.split(key, 8)
    x = jax.random.normal(k1, (N, D_IN), dtype=jnp.float32)
    edge_index = jax.random.randint(k2, (2, E), 0, N)
    W1_l = jax.random.normal(k3, (D_IN, D_HID), dtype=jnp.float32) * 0.05
    W1_r = jax.random.normal(k4, (D_IN, D_HID), dtype=jnp.float32) * 0.05
    b1 = jnp.zeros((D_HID,), dtype=jnp.float32)
    W2_l = jax.random.normal(k5, (D_HID, D_OUT), dtype=jnp.float32) * 0.05
    W2_r = jax.random.normal(k6, (D_HID, D_OUT), dtype=jnp.float32) * 0.05
    b2 = jnp.zeros((D_OUT,), dtype=jnp.float32)
    return {"x": x, "edge_index": edge_index, "W1_l": W1_l, "W1_r": W1_r,
            "b1": b1, "W2_l": W2_l, "W2_r": W2_r, "b2": b2}


def reference(x, edge_index, W1_l, W1_r, b1, W2_l, W2_r, b2):
    # eval mode: dropout is identity; torch.utils.checkpoint is identity math.
    src = edge_index[0]
    dst = edge_index[1]
    h = jax.nn.relu(sage_conv(x, src, dst, W1_l, W1_r, b1, N))
    out = sage_conv(h, src, dst, W2_l, W2_r, b2, N)
    return jax.nn.log_softmax(out, axis=1)

if __name__ == "__main__":
    import jax
    _d = setup_inputs()
    print(jax.jit(kernel)(*tuple(_d.values())))

</pallas_src>

<mosaic_0001>
#map = affine_map<(d0, d1) -> (0, 0, 0)>
#map1 = affine_map<(d0, d1) -> (0, 0)>
module attributes {stable_mosaic.version = 14 : i64} {
  func.func @seg_sum(%arg0: i32, %arg1: i32, %arg2: memref<2x10000x64xf32, #tpu.memory_space<hbm>>, %arg3: memref<2x2560x128xi32, #tpu.memory_space<hbm>>, %arg4: memref<632x64xf32, #tpu.memory_space<hbm>>, %arg5: memref<2x10112x64xf32, #tpu.memory_space<hbm>>, %arg6: memref<160x128xi32, #tpu.memory_space<vmem>>, %arg7: memref<160x128xi32, #tpu.memory_space<vmem>>, %arg8: memref<256x64xf32, #tpu.memory_space<vmem>>, %arg9: memref<256x64xf32, #tpu.memory_space<vmem>>, %arg10: memref<10112x64xf32, #tpu.memory_space<vmem_shared>>, %arg11: memref<!tpu.dma_semaphore, #tpu.memory_space<semaphore_mem>>, %arg12: memref<!tpu.dma_semaphore, #tpu.memory_space<semaphore_mem>>, %arg13: memref<!tpu.dma_semaphore, #tpu.memory_space<semaphore_mem>>) attributes {dimension_semantics = [#tpu.dimension_semantics<core_parallel>, #tpu.dimension_semantics<subcore_parallel>], iteration_bounds = array<i64: 2, 16>, scalar_prefetch = 0 : i64, scratch_operands = 8 : i64, tpu.core_type = #tpu.core_type<sc_vector_subcore>, window_params = [{transform_indices = #map}, {transform_indices = #map}, {transform_indices = #map1}, {transform_indices = #map}]} {
    %mul3A = arith.constant 632 : i32
    %mul3A_0 = arith.muli %arg1, %mul3A : i32
    "tpu.region"() ({
      %run_scoped3A_67 = tpu.sem_alloc : memref<!tpu.dma_semaphore, #tpu.memory_space<semaphore_mem>>
      %dma_start3A_68 = arith.constant 0 : i32
      %dma_start3A_69 = tpu.memref_slice %arg10[%mul3A_0, %dma_start3A_68] : memref<10112x64xf32, #tpu.memory_space<vmem_shared>> -> memref<632x64xf32, #tpu.memory_space<vmem_shared>>
      tpu.enqueue_dma source(%arg4 : memref<632x64xf32, #tpu.memory_space<hbm>>) target(%dma_start3A_69 : memref<632x64xf32, #tpu.memory_space<vmem_shared>>) target_semaphore(%run_scoped3A_67 : memref<!tpu.dma_semaphore, #tpu.memory_space<semaphore_mem>>)
      %dma_wait3A = arith.constant 0 : i32
      %dma_wait3A_70 = tpu.memref_slice %arg10[%mul3A_0, %dma_wait3A] : memref<10112x64xf32, #tpu.memory_space<vmem_shared>> -> memref<632x64xf32, #tpu.memory_space<vmem_shared>>
      tpu.wait_dma2 semaphore(%run_scoped3A_67 : memref<!tpu.dma_semaphore, #tpu.memory_space<semaphore_mem>>) src(%arg4 : memref<632x64xf32, #tpu.memory_space<hbm>>) dst(%dma_wait3A_70 : memref<632x64xf32, #tpu.memory_space<vmem_shared>>)
      tpu.yield
    }) : () -> ()
    %mul3A_1 = arith.constant 160 : i32
    %mul3A_2 = arith.muli %arg1, %mul3A_1 : i32
    %run_scoped3A = arith.constant 0 : i32
    "tpu.region"() ({
      %run_scoped3A_67 = tpu.sem_alloc : memref<!tpu.dma_semaphore, #tpu.memory_space<semaphore_mem>>
      %dma_start3A_68 = arith.constant 0 : i32
      %dma_start3A_69 = tpu.memref_slice %arg3[%run_scoped3A, %mul3A_2, %dma_start3A_68] : memref<2x2560x128xi32, #tpu.memory_space<hbm>> -> memref<1x160x128xi32, #tpu.memory_space<hbm>>
      %dma_start3A_70 = tpu.memref_squeeze %dma_start3A_69 : memref<1x160x128xi32, #tpu.memory_space<hbm>> -> memref<160x128xi32, #tpu.memory_space<hbm>>
      %dma_start3A_71 = arith.constant 0 : i32
      %dma_start3A_72 = tpu.memref_slice %arg3[%run_scoped3A, %mul3A_2, %dma_start3A_71] : memref<2x2560x128xi32, #tpu.memory_space<hbm>> -> memref<1x160x128xi32, #tpu.memory_space<hbm>>
      %dma_start3A_73 = tpu.memref_squeeze %dma_start3A_72 : memref<1x160x128xi32, #tpu.memory_space<hbm>> -> memref<160x128xi32, #tpu.memory_space<hbm>>
      tpu.enqueue_dma source(%dma_start3A_73 : memref<160x128xi32, #tpu.memory_space<hbm>>) target(%arg6 : memref<160x128xi32, #tpu.memory_space<vmem>>) target_semaphore(%run_scoped3A_67 : memref<!tpu.dma_semaphore, #tpu.memory_space<semaphore_mem>>)
      %dma_wait3A = arith.constant 0 : i32
      %dma_wait3A_74 = tpu.memref_slice %arg3[%run_scoped3A, %mul3A_2, %dma_wait3A] : memref<2x2560x128xi32, #tpu.memory_space<hbm>> -> memref<1x160x128xi32, #tpu.memory_space<hbm>>
      %dma_wait3A_75 = tpu.memref_squeeze %dma_wait3A_74 : memref<1x160x128xi32, #tpu.memory_space<hbm>> -> memref<160x128xi32, #tpu.memory_space<hbm>>
      %dma_wait3A_76 = arith.constant 0 : i32
      %dma_wait3A_77 = tpu.memref_slice %arg3[%run_scoped3A, %mul3A_2, %dma_wait3A_76] : memref<2x2560x128xi32, #tpu.memory_space<hbm>> -> memref<1x160x128xi32, #tpu.memory_space<hbm>>
      %dma_wait3A_78 = tpu.memref_squeeze %dma_wait3A_77 : memref<1x160x128xi32, #tpu.memory_space<hbm>> -> memref<160x128xi32, #tpu.memory_space<hbm>>
      tpu.wait_dma2 semaphore(%run_scoped3A_67 : memref<!tpu.dma_semaphore, #tpu.memory_space<semaphore_mem>>) src(%dma_wait3A_78 : memref<160x128xi32, #tpu.memory_space<hbm>>) dst(%arg6 : memref<160x128xi32, #tpu.memory_space<vmem>>)
      tpu.yield
    }) : () -> ()
    %run_scoped3A_3 = arith.constant 1 : i32
    "tpu.region"() ({
      %run_scoped3A_67 = tpu.sem_alloc : memref<!tpu.dma_semaphore, #tpu.memory_space<semaphore_mem>>
      %dma_start3A_68 = arith.constant 0 : i32
      %dma_start3A_69 = tpu.memref_slice %arg3[%run_scoped3A_3, %mul3A_2, %dma_start3A_68] : memref<2x2560x128xi32, #tpu.memory_space<hbm>> -> memref<1x160x128xi32, #tpu.memory_space<hbm>>
      %dma_start3A_70 = tpu.memref_squeeze %dma_start3A_69 : memref<1x160x128xi32, #tpu.memory_space<hbm>> -> memref<160x128xi32, #tpu.memory_space<hbm>>
      %dma_start3A_71 = arith.constant 0 : i32
      %dma_start3A_72 = tpu.memref_slice %arg3[%run_scoped3A_3, %mul3A_2, %dma_start3A_71] : memref<2x2560x128xi32, #tpu.memory_space<hbm>> -> memref<1x160x128xi32, #tpu.memory_space<hbm>>
      %dma_start3A_73 = tpu.memref_squeeze %dma_start3A_72 : memref<1x160x128xi32, #tpu.memory_space<hbm>> -> memref<160x128xi32, #tpu.memory_space<hbm>>
      tpu.enqueue_dma source(%dma_start3A_73 : memref<160x128xi32, #tpu.memory_space<hbm>>) target(%arg7 : memref<160x128xi32, #tpu.memory_space<vmem>>) target_semaphore(%run_scoped3A_67 : memref<!tpu.dma_semaphore, #tpu.memory_space<semaphore_mem>>)
      %dma_wait3A = arith.constant 0 : i32
      %dma_wait3A_74 = tpu.memref_slice %arg3[%run_scoped3A_3, %mul3A_2, %dma_wait3A] : memref<2x2560x128xi32, #tpu.memory_space<hbm>> -> memref<1x160x128xi32, #tpu.memory_space<hbm>>
      %dma_wait3A_75 = tpu.memref_squeeze %dma_wait3A_74 : memref<1x160x128xi32, #tpu.memory_space<hbm>> -> memref<160x128xi32, #tpu.memory_space<hbm>>
      %dma_wait3A_76 = arith.constant 0 : i32
      %dma_wait3A_77 = tpu.memref_slice %arg3[%run_scoped3A_3, %mul3A_2, %dma_wait3A_76] : memref<2x2560x128xi32, #tpu.memory_space<hbm>> -> memref<1x160x128xi32, #tpu.memory_space<hbm>>
      %dma_wait3A_78 = tpu.memref_squeeze %dma_wait3A_77 : memref<1x160x128xi32, #tpu.memory_space<hbm>> -> memref<160x128xi32, #tpu.memory_space<hbm>>
      tpu.wait_dma2 semaphore(%run_scoped3A_67 : memref<!tpu.dma_semaphore, #tpu.memory_space<semaphore_mem>>) src(%dma_wait3A_78 : memref<160x128xi32, #tpu.memory_space<hbm>>) dst(%arg7 : memref<160x128xi32, #tpu.memory_space<vmem>>)
      tpu.yield
    }) : () -> ()
    %barrier3A = arith.constant 0 : index
    tpu.barrier barrier_id(%barrier3A)
    %dma_start3A = arith.constant 0 : i32
    %dma_start3A_4 = arith.constant 0 : i32
    %dma_start3A_5 = arith.constant 0 : i32
    %dma_start3A_6 = tpu.memref_slice %arg8[%dma_start3A_4, %dma_start3A_5] : memref<256x64xf32, #tpu.memory_space<vmem>> -> memref<128x64xf32, #tpu.memory_space<vmem>>
    %dma_start3A_7 = arith.constant 0 : i32
    %dma_start3A_8 = tpu.memref_slice %arg6[%dma_start3A, %dma_start3A_7] : memref<160x128xi32, #tpu.memory_space<vmem>> -> memref<1x128xi32, #tpu.memory_space<vmem>>
    %dma_start3A_9 = tpu.memref_squeeze %dma_start3A_8 : memref<1x128xi32, #tpu.memory_space<vmem>> -> memref<128xi32, #tpu.memory_space<vmem>>
    %dma_start3A_10 = arith.constant 0 : i32
    %dma_start3A_11 = arith.constant 0 : i32
    %dma_start3A_12 = tpu.memref_slice %arg2[%arg0, %dma_start3A_10, %dma_start3A_11] : memref<2x10000x64xf32, #tpu.memory_space<hbm>> -> memref<1x10000x64xf32, #tpu.memory_space<hbm>>
    %dma_start3A_13 = tpu.memref_squeeze %dma_start3A_12 : memref<1x10000x64xf32, #tpu.memory_space<hbm>> -> memref<10000x64xf32, #tpu.memory_space<hbm>>
    %dma_start3A_14 = arith.constant 0 : i32
    %dma_start3A_15 = arith.constant 0 : i32
    %dma_start3A_16 = tpu.memref_slice %dma_start3A_13[%dma_start3A_14, %dma_start3A_15] : memref<10000x64xf32, #tpu.memory_space<hbm>> -> memref<10000x64xf32, #tpu.memory_space<hbm>>
    tpu.enqueue_indirect_dma source(%dma_start3A_16 : memref<10000x64xf32, #tpu.memory_space<hbm>>) target(%dma_start3A_6 : memref<128x64xf32, #tpu.memory_space<vmem>>) offsets(%dma_start3A_9 : memref<128xi32, #tpu.memory_space<vmem>>) semaphore(%arg11 : memref<!tpu.dma_semaphore, #tpu.memory_space<semaphore_mem>>)
    %dma_start3A_17 = arith.constant 1 : i32
    %dma_start3A_18 = arith.constant 128 : i32
    %dma_start3A_19 = arith.constant 0 : i32
    %dma_start3A_20 = tpu.memref_slice %arg8[%dma_start3A_18, %dma_start3A_19] : memref<256x64xf32, #tpu.memory_space<vmem>> -> memref<128x64xf32, #tpu.memory_space<vmem>>
    %dma_start3A_21 = arith.constant 0 : i32
    %dma_start3A_22 = tpu.memref_slice %arg6[%dma_start3A_17, %dma_start3A_21] : memref<160x128xi32, #tpu.memory_space<vmem>> -> memref<1x128xi32, #tpu.memory_space<vmem>>
    %dma_start3A_23 = tpu.memref_squeeze %dma_start3A_22 : memref<1x128xi32, #tpu.memory_space<vmem>> -> memref<128xi32, #tpu.memory_space<vmem>>
    %dma_start3A_24 = arith.constant 0 : i32
    %dma_start3A_25 = arith.constant 0 : i32
    %dma_start3A_26 = tpu.memref_slice %arg2[%arg0, %dma_start3A_24, %dma_start3A_25] : memref<2x10000x64xf32, #tpu.memory_space<hbm>> -> memref<1x10000x64xf32, #tpu.memory_space<hbm>>
    %dma_start3A_27 = tpu.memref_squeeze %dma_start3A_26 : memref<1x10000x64xf32, #tpu.memory_space<hbm>> -> memref<10000x64xf32, #tpu.memory_space<hbm>>
    %dma_start3A_28 = arith.constant 0 : i32
    %dma_start3A_29 = arith.constant 0 : i32
    %dma_start3A_30 = tpu.memref_slice %dma_start3A_27[%dma_start3A_28, %dma_start3A_29] : memref<10000x64xf32, #tpu.memory_space<hbm>> -> memref<10000x64xf32, #tpu.memory_space<hbm>>
    tpu.enqueue_indirect_dma source(%dma_start3A_30 : memref<10000x64xf32, #tpu.memory_space<hbm>>) target(%dma_start3A_20 : memref<128x64xf32, #tpu.memory_space<vmem>>) offsets(%dma_start3A_23 : memref<128xi32, #tpu.memory_space<vmem>>) semaphore(%arg11 : memref<!tpu.dma_semaphore, #tpu.memory_space<semaphore_mem>>)
    %dma_start3A_31 = arith.constant 2 : i32
    %dma_start3A_32 = arith.constant 0 : i32
    %dma_start3A_33 = arith.constant 0 : i32
    %dma_start3A_34 = tpu.memref_slice %arg9[%dma_start3A_32, %dma_start3A_33] : memref<256x64xf32, #tpu.memory_space<vmem>> -> memref<128x64xf32, #tpu.memory_space<vmem>>
    %dma_start3A_35 = arith.constant 0 : i32
    %dma_start3A_36 = tpu.memref_slice %arg6[%dma_start3A_31, %dma_start3A_35] : memref<160x128xi32, #tpu.memory_space<vmem>> -> memref<1x128xi32, #tpu.memory_space<vmem>>
    %dma_start3A_37 = tpu.memref_squeeze %dma_start3A_36 : memref<1x128xi32, #tpu.memory_space<vmem>> -> memref<128xi32, #tpu.memory_space<vmem>>
    %dma_start3A_38 = arith.constant 0 : i32
    %dma_start3A_39 = arith.constant 0 : i32
    %dma_start3A_40 = tpu.memref_slice %arg2[%arg0, %dma_start3A_38, %dma_start3A_39] : memref<2x10000x64xf32, #tpu.memory_space<hbm>> -> memref<1x10000x64xf32, #tpu.memory_space<hbm>>
    %dma_start3A_41 = tpu.memref_squeeze %dma_start3A_40 : memref<1x10000x64xf32, #tpu.memory_space<hbm>> -> memref<10000x64xf32, #tpu.memory_space<hbm>>
    %dma_start3A_42 = arith.constant 0 : i32
    %dma_start3A_43 = arith.constant 0 : i32
    %dma_start3A_44 = tpu.memref_slice %dma_start3A_41[%dma_start3A_42, %dma_start3A_43] : memref<10000x64xf32, #tpu.memory_space<hbm>> -> memref<10000x64xf32, #tpu.memory_space<hbm>>
    tpu.enqueue_indirect_dma source(%dma_start3A_44 : memref<10000x64xf32, #tpu.memory_space<hbm>>) target(%dma_start3A_34 : memref<128x64xf32, #tpu.memory_space<vmem>>) offsets(%dma_start3A_37 : memref<128xi32, #tpu.memory_space<vmem>>) semaphore(%arg12 : memref<!tpu.dma_semaphore, #tpu.memory_space<semaphore_mem>>)
    %dma_start3A_45 = arith.constant 3 : i32
    %dma_start3A_46 = arith.constant 128 : i32
    %dma_start3A_47 = arith.constant 0 : i32
    %dma_start3A_48 = tpu.memref_slice %arg9[%dma_start3A_46, %dma_start3A_47] : memref<256x64xf32, #tpu.memory_space<vmem>> -> memref<128x64xf32, #tpu.memory_space<vmem>>
    %dma_start3A_49 = arith.constant 0 : i32
    %dma_start3A_50 = tpu.memref_slice %arg6[%dma_start3A_45, %dma_start3A_49] : memref<160x128xi32, #tpu.memory_space<vmem>> -> memref<1x128xi32, #tpu.memory_space<vmem>>
    %dma_start3A_51 = tpu.memref_squeeze %dma_start3A_50 : memref<1x128xi32, #tpu.memory_space<vmem>> -> memref<128xi32, #tpu.memory_space<vmem>>
    %dma_start3A_52 = arith.constant 0 : i32
    %dma_start3A_53 = arith.constant 0 : i32
    %dma_start3A_54 = tpu.memref_slice %arg2[%arg0, %dma_start3A_52, %dma_start3A_53] : memref<2x10000x64xf32, #tpu.memory_space<hbm>> -> memref<1x10000x64xf32, #tpu.memory_space<hbm>>
    %dma_start3A_55 = tpu.memref_squeeze %dma_start3A_54 : memref<1x10000x64xf32, #tpu.memory_space<hbm>> -> memref<10000x64xf32, #tpu.memory_space<hbm>>
    %dma_start3A_56 = arith.constant 0 : i32
    %dma_start3A_57 = arith.constant 0 : i32
    %dma_start3A_58 = tpu.memref_slice %dma_start3A_55[%dma_start3A_56, %dma_start3A_57] : memref<10000x64xf32, #tpu.memory_space<hbm>> -> memref<10000x64xf32, #tpu.memory_space<hbm>>
    tpu.enqueue_indirect_dma source(%dma_start3A_58 : memref<10000x64xf32, #tpu.memory_space<hbm>>) target(%dma_start3A_48 : memref<128x64xf32, #tpu.memory_space<vmem>>) offsets(%dma_start3A_51 : memref<128xi32, #tpu.memory_space<vmem>>) semaphore(%arg12 : memref<!tpu.dma_semaphore, #tpu.memory_space<semaphore_mem>>)
    %scan3A = arith.constant 0 : i32
    %scan3A_59 = arith.constant 0 : i32
    %scan3A_60 = arith.constant 40 : i32
    %scan3A_61 = arith.addi %scan3A_59, %scan3A_60 : i32
    %scan3A_62 = arith.constant 1 : i32
    scf.for %scan3A_67 = %scan3A_59 to %scan3A_61 step %scan3A_62  : i32 {
      %mul3A_68 = arith.constant 2 : i32
      %mul3A_69 = arith.muli %mul3A_68, %scan3A_67 : i32
      %mul3A_70 = arith.constant 2 : i32
      %mul3A_71 = arith.muli %mul3A_69, %mul3A_70 : i32
      %dma_wait3A = arith.constant 0 : i32
      %dma_wait3A_72 = arith.constant 0 : i32
      %dma_wait3A_73 = arith.constant 0 : i32
      %dma_wait3A_74 = tpu.memref_slice %arg8[%dma_wait3A_72, %dma_wait3A_73] : memref<256x64xf32, #tpu.memory_space<vmem>> -> memref<128x64xf32, #tpu.memory_space<vmem>>
      %dma_wait3A_75 = arith.constant 0 : i32
      %dma_wait3A_76 = tpu.memref_slice %arg6[%dma_wait3A, %dma_wait3A_75] : memref<160x128xi32, #tpu.memory_space<vmem>> -> memref<1x128xi32, #tpu.memory_space<vmem>>
      %dma_wait3A_77 = tpu.memref_squeeze %dma_wait3A_76 : memref<1x128xi32, #tpu.memory_space<vmem>> -> memref<128xi32, #tpu.memory_space<vmem>>
      %dma_wait3A_78 = arith.constant 0 : i32
      %dma_wait3A_79 = arith.constant 0 : i32
      %dma_wait3A_80 = tpu.memref_slice %arg2[%arg0, %dma_wait3A_78, %dma_wait3A_79] : memref<2x10000x64xf32, #tpu.memory_space<hbm>> -> memref<1x10000x64xf32, #tpu.memory_space<hbm>>
      %dma_wait3A_81 = tpu.memref_squeeze %dma_wait3A_80 : memref<1x10000x64xf32, #tpu.memory_space<hbm>> -> memref<10000x64xf32, #tpu.memory_space<hbm>>
      %dma_wait3A_82 = arith.constant 0 : i32
      %dma_wait3A_83 = arith.constant 0 : i32
      %dma_wait3A_84 = tpu.memref_slice %dma_wait3A_81[%dma_wait3A_82, %dma_wait3A_83] : memref<10000x64xf32, #tpu.memory_space<hbm>> -> memref<10000x64xf32, #tpu.memory_space<hbm>>
      tpu.wait_indirect_dma semaphore(%arg11 : memref<!tpu.dma_semaphore, #tpu.memory_space<semaphore_mem>>) src(%dma_wait3A_84 : memref<10000x64xf32, #tpu.memory_space<hbm>>) dst(%dma_wait3A_74 : memref<128x64xf32, #tpu.memory_space<vmem>>)
      %dma_wait3A_85 = arith.constant 1 : i32
      %dma_wait3A_86 = arith.constant 128 : i32
      %dma_wait3A_87 = arith.constant 0 : i32
      %dma_wait3A_88 = tpu.memref_slice %arg8[%dma_wait3A_86, %dma_wait3A_87] : memref<256x64xf32, #tpu.memory_space<vmem>> -> memref<128x64xf32, #tpu.memory_space<vmem>>
      %dma_wait3A_89 = arith.constant 0 : i32
      %dma_wait3A_90 = tpu.memref_slice %arg6[%dma_wait3A_85, %dma_wait3A_89] : memref<160x128xi32, #tpu.memory_space<vmem>> -> memref<1x128xi32, #tpu.memory_space<vmem>>
      %dma_wait3A_91 = tpu.memref_squeeze %dma_wait3A_90 : memref<1x128xi32, #tpu.memory_space<vmem>> -> memref<128xi32, #tpu.memory_space<vmem>>
      %dma_wait3A_92 = arith.constant 0 : i32
      %dma_wait3A_93 = arith.constant 0 : i32
      %dma_wait3A_94 = tpu.memref_slice %arg2[%arg0, %dma_wait3A_92, %dma_wait3A_93] : memref<2x10000x64xf32, #tpu.memory_space<hbm>> -> memref<1x10000x64xf32, #tpu.memory_space<hbm>>
      %dma_wait3A_95 = tpu.memref_squeeze %dma_wait3A_94 : memref<1x10000x64xf32, #tpu.memory_space<hbm>> -> memref<10000x64xf32, #tpu.memory_space<hbm>>
      %dma_wait3A_96 = arith.constant 0 : i32
      %dma_wait3A_97 = arith.constant 0 : i32
      %dma_wait3A_98 = tpu.memref_slice %dma_wait3A_95[%dma_wait3A_96, %dma_wait3A_97] : memref<10000x64xf32, #tpu.memory_space<hbm>> -> memref<10000x64xf32, #tpu.memory_space<hbm>>
      tpu.wait_indirect_dma semaphore(%arg11 : memref<!tpu.dma_semaphore, #tpu.memory_space<semaphore_mem>>) src(%dma_wait3A_98 : memref<10000x64xf32, #tpu.memory_space<hbm>>) dst(%dma_wait3A_88 : memref<128x64xf32, #tpu.memory_space<vmem>>)
      %add3A = arith.constant 0 : i32
      %add3A_99 = arith.addi %mul3A_71, %add3A : i32
      %dma_start3A_100 = arith.constant 0 : i32
      %dma_start3A_101 = arith.constant 0 : i32
      %dma_start3A_102 = tpu.memref_slice %arg8[%dma_start3A_100, %dma_start3A_101] : memref<256x64xf32, #tpu.memory_space<vmem>> -> memref<128x64xf32, #tpu.memory_space<vmem>>
      %dma_start3A_103 = arith.constant 0 : i32
      %dma_start3A_104 = tpu.memref_slice %arg7[%add3A_99, %dma_start3A_103] : memref<160x128xi32, #tpu.memory_space<vmem>> -> memref<1x128xi32, #tpu.memory_space<vmem>>
      %dma_start3A_105 = tpu.memref_squeeze %dma_start3A_104 : memref<1x128xi32, #tpu.memory_space<vmem>> -> memref<128xi32, #tpu.memory_space<vmem>>
      %dma_start3A_106 = arith.constant 0 : i32
      %dma_start3A_107 = arith.constant 0 : i32
      %dma_start3A_108 = tpu.memref_slice %arg10[%dma_start3A_106, %dma_start3A_107] : memref<10112x64xf32, #tpu.memory_space<vmem_shared>> -> memref<10112x64xf32, #tpu.memory_space<vmem_shared>>
      tpu.enqueue_indirect_dma source(%dma_start3A_102 : memref<128x64xf32, #tpu.memory_space<vmem>>) target(%dma_start3A_108 : memref<10112x64xf32, #tpu.memory_space<vmem_shared>>) offsets(%dma_start3A_105 : memref<128xi32, #tpu.memory_space<vmem>>) semaphore(%arg13 : memref<!tpu.dma_semaphore, #tpu.memory_space<semaphore_mem>>) {add = true}
      %add3A_109 = arith.constant 1 : i32
      %add3A_110 = arith.addi %mul3A_71, %add3A_109 : i32
      %dma_start3A_111 = arith.constant 128 : i32
      %dma_start3A_112 = arith.constant 0 : i32
      %dma_start3A_113 = tpu.memref_slice %arg8[%dma_start3A_111, %dma_start3A_112] : memref<256x64xf32, #tpu.memory_space<vmem>> -> memref<128x64xf32, #tpu.memory_space<vmem>>
      %dma_start3A_114 = arith.constant 0 : i32
      %dma_start3A_115 = tpu.memref_slice %arg7[%add3A_110, %dma_start3A_114] : memref<160x128xi32, #tpu.memory_space<vmem>> -> memref<1x128xi32, #tpu.memory_space<vmem>>
      %dma_start3A_116 = tpu.memref_squeeze %dma_start3A_115 : memref<1x128xi32, #tpu.memory_space<vmem>> -> memref<128xi32, #tpu.memory_space<vmem>>
      %dma_start3A_117 = arith.constant 0 : i32
      %dma_start3A_118 = arith.constant 0 : i32
      %dma_start3A_119 = tpu.memref_slice %arg10[%dma_start3A_117, %dma_start3A_118] : memref<10112x64xf32, #tpu.memory_space<vmem_shared>> -> memref<10112x64xf32, #tpu.memory_space<vmem_shared>>
      tpu.enqueue_indirect_dma source(%dma_start3A_113 : memref<128x64xf32, #tpu.memory_space<vmem>>) target(%dma_start3A_119 : memref<10112x64xf32, #tpu.memory_space<vmem_shared>>) offsets(%dma_start3A_116 : memref<128xi32, #tpu.memory_space<vmem>>) semaphore(%arg13 : memref<!tpu.dma_semaphore, #tpu.memory_space<semaphore_mem>>) {add = true}
      %dma_wait3A_120 = arith.constant 0 : i32
      %dma_wait3A_121 = arith.constant 0 : i32
      %dma_wait3A_122 = arith.constant 0 : i32
      %dma_wait3A_123 = tpu.memref_slice %arg8[%dma_wait3A_121, %dma_wait3A_122] : memref<256x64xf32, #tpu.memory_space<vmem>> -> memref<128x64xf32, #tpu.memory_space<vmem>>
      %dma_wait3A_124 = arith.constant 0 : i32
      %dma_wait3A_125 = tpu.memref_slice %arg7[%dma_wait3A_120, %dma_wait3A_124] : memref<160x128xi32, #tpu.memory_space<vmem>> -> memref<1x128xi32, #tpu.memory_space<vmem>>
      %dma_wait3A_126 = tpu.memref_squeeze %dma_wait3A_125 : memref<1x128xi32, #tpu.memory_space<vmem>> -> memref<128xi32, #tpu.memory_space<vmem>>
      %dma_wait3A_127 = arith.constant 0 : i32
      %dma_wait3A_128 = arith.constant 0 : i32
      %dma_wait3A_129 = tpu.memref_slice %arg10[%dma_wait3A_127, %dma_wait3A_128] : memref<10112x64xf32, #tpu.memory_space<vmem_shared>> -> memref<10112x64xf32, #tpu.memory_space<vmem_shared>>
      tpu.wait_indirect_dma semaphore(%arg13 : memref<!tpu.dma_semaphore, #tpu.memory_space<semaphore_mem>>) src(%dma_wait3A_123 : memref<128x64xf32, #tpu.memory_space<vmem>>) dst(%dma_wait3A_129 : memref<10112x64xf32, #tpu.memory_space<vmem_shared>>)
      %dma_wait3A_130 = arith.constant 1 : i32
      %dma_wait3A_131 = arith.constant 128 : i32
      %dma_wait3A_132 = arith.constant 0 : i32
      %dma_wait3A_133 = tpu.memref_slice %arg8[%dma_wait3A_131, %dma_wait3A_132] : memref<256x64xf32, #tpu.memory_space<vmem>> -> memref<128x64xf32, #tpu.memory_space<vmem>>
      %dma_wait3A_134 = arith.constant 0 : i32
      %dma_wait3A_135 = tpu.memref_slice %arg7[%dma_wait3A_130, %dma_wait3A_134] : memref<160x128xi32, #tpu.memory_space<vmem>> -> memref<1x128xi32, #tpu.memory_space<vmem>>
      %dma_wait3A_136 = tpu.memref_squeeze %dma_wait3A_135 : memref<1x128xi32, #tpu.memory_space<vmem>> -> memref<128xi32, #tpu.memory_space<vmem>>
      %dma_wait3A_137 = arith.constant 0 : i32
      %dma_wait3A_138 = arith.constant 0 : i32
      %dma_wait3A_139 = tpu.memref_slice %arg10[%dma_wait3A_137, %dma_wait3A_138] : memref<10112x64xf32, #tpu.memory_space<vmem_shared>> -> memref<10112x64xf32, #tpu.memory_space<vmem_shared>>
      tpu.wait_indirect_dma semaphore(%arg13 : memref<!tpu.dma_semaphore, #tpu.memory_space<semaphore_mem>>) src(%dma_wait3A_133 : memref<128x64xf32, #tpu.memory_space<vmem>>) dst(%dma_wait3A_139 : memref<10112x64xf32, #tpu.memory_space<vmem_shared>>)
      %add3A_140 = arith.constant 4 : i32
      %add3A_141 = arith.addi %mul3A_71, %add3A_140 : i32
      %lt3A = arith.constant 160 : i32
      %lt3A_142 = arith.cmpi slt, %add3A_141, %lt3A : i32
      %convert_element_type3A = arith.extui %lt3A_142 : i1 to i32
      %cond3A = arith.constant 0 : i32
      %cond3A_143 = arith.cmpi ne, %convert_element_type3A, %cond3A : i32
      scf.if %cond3A_143 {
        %add3A_223 = arith.constant 4 : i32
        %add3A_224 = arith.addi %mul3A_71, %add3A_223 : i32
        %add3A_225 = arith.constant 0 : i32
        %add3A_226 = arith.addi %add3A_224, %add3A_225 : i32
        %dma_start3A_227 = arith.constant 0 : i32
        %dma_start3A_228 = arith.constant 0 : i32
        %dma_start3A_229 = tpu.memref_slice %arg8[%dma_start3A_227, %dma_start3A_228] : memref<256x64xf32, #tpu.memory_space<vmem>> -> memref<128x64xf32, #tpu.memory_space<vmem>>
        %dma_start3A_230 = arith.constant 0 : i32
        %dma_start3A_231 = tpu.memref_slice %arg6[%add3A_226, %dma_start3A_230] : memref<160x128xi32, #tpu.memory_space<vmem>> -> memref<1x128xi32, #tpu.memory_space<vmem>>
        %dma_start3A_232 = tpu.memref_squeeze %dma_start3A_231 : memref<1x128xi32, #tpu.memory_space<vmem>> -> memref<128xi32, #tpu.memory_space<vmem>>
        %dma_start3A_233 = arith.constant 0 : i32
        %dma_start3A_234 = arith.constant 0 : i32
        %dma_start3A_235 = tpu.memref_slice %arg2[%arg0, %dma_start3A_233, %dma_start3A_234] : memref<2x10000x64xf32, #tpu.memory_space<hbm>> -> memref<1x10000x64xf32, #tpu.memory_space<hbm>>
        %dma_start3A_236 = tpu.memref_squeeze %dma_start3A_235 : memref<1x10000x64xf32, #tpu.memory_space<hbm>> -> memref<10000x64xf32, #tpu.memory_space<hbm>>
        %dma_start3A_237 = arith.constant 0 : i32
        %dma_start3A_238 = arith.constant 0 : i32
        %dma_start3A_239 = tpu.memref_slice %dma_start3A_236[%dma_start3A_237, %dma_start3A_238] : memref<10000x64xf32, #tpu.memory_space<hbm>> -> memref<10000x64xf32, #tpu.memory_space<hbm>>
        tpu.enqueue_indirect_dma source(%dma_start3A_239 : memref<10000x64xf32, #tpu.memory_space<hbm>>) target(%dma_start3A_229 : memref<128x64xf32, #tpu.memory_space<vmem>>) offsets(%dma_start3A_232 : memref<128xi32, #tpu.memory_space<vmem>>) semaphore(%arg11 : memref<!tpu.dma_semaphore, #tpu.memory_space<semaphore_mem>>)
        %add3A_240 = arith.constant 1 : i32
        %add3A_241 = arith.addi %add3A_224, %add3A_240 : i32
        %dma_start3A_242 = arith.constant 128 : i32
        %dma_start3A_243 = arith.constant 0 : i32
        %dma_start3A_244 = tpu.memref_slice %arg8[%dma_start3A_242, %dma_start3A_243] : memref<256x64xf32, #tpu.memory_space<vmem>> -> memref<128x64xf32, #tpu.memory_space<vmem>>
        %dma_start3A_245 = arith.constant 0 : i32
        %dma_start3A_246 = tpu.memref_slice %arg6[%add3A_241, %dma_start3A_245] : memref<160x128xi32, #tpu.memory_space<vmem>> -> memref<1x128xi32, #tpu.memory_space<vmem>>
        %dma_start3A_247 = tpu.memref_squeeze %dma_start3A_246 : memref<1x128xi32, #tpu.memory_space<vmem>> -> memref<128xi32, #tpu.memory_space<vmem>>
        %dma_start3A_248 = arith.constant 0 : i32
        %dma_start3A_249 = arith.constant 0 : i32
        %dma_start3A_250 = tpu.memref_slice %arg2[%arg0, %dma_start3A_248, %dma_start3A_249] : memref<2x10000x64xf32, #tpu.memory_space<hbm>> -> memref<1x10000x64xf32, #tpu.memory_space<hbm>>
        %dma_start3A_251 = tpu.memref_squeeze %dma_start3A_250 : memref<1x10000x64xf32, #tpu.memory_space<hbm>> -> memref<10000x64xf32, #tpu.memory_space<hbm>>
        %dma_start3A_252 = arith.constant 0 : i32
        %dma_start3A_253 = arith.constant 0 : i32
        %dma_start3A_254 = tpu.memref_slice %dma_start3A_251[%dma_start3A_252, %dma_start3A_253] : memref<10000x64xf32, #tpu.memory_space<hbm>> -> memref<10000x64xf32, #tpu.memory_space<hbm>>
        tpu.enqueue_indirect_dma source(%dma_start3A_254 : memref<10000x64xf32, #tpu.memory_space<hbm>>) target(%dma_start3A_244 : memref<128x64xf32, #tpu.memory_space<vmem>>) offsets(%dma_start3A_247 : memref<128xi32, #tpu.memory_space<vmem>>) semaphore(%arg11 : memref<!tpu.dma_semaphore, #tpu.memory_space<semaphore_mem>>)
      } else {
      }
      %dma_wait3A_144 = arith.constant 0 : i32
      %dma_wait3A_145 = arith.constant 0 : i32
      %dma_wait3A_146 = arith.constant 0 : i32
      %dma_wait3A_147 = tpu.memref_slice %arg9[%dma_wait3A_145, %dma_wait3A_146] : memref<256x64xf32, #tpu.memory_space<vmem>> -> memref<128x64xf32, #tpu.memory_space<vmem>>
      %dma_wait3A_148 = arith.constant 0 : i32
      %dma_wait3A_149 = tpu.memref_slice %arg6[%dma_wait3A_144, %dma_wait3A_148] : memref<160x128xi32, #tpu.memory_space<vmem>> -> memref<1x128xi32, #tpu.memory_space<vmem>>
      %dma_wait3A_150 = tpu.memref_squeeze %dma_wait3A_149 : memref<1x128xi32, #tpu.memory_space<vmem>> -> memref<128xi32, #tpu.memory_space<vmem>>
      %dma_wait3A_151 = arith.constant 0 : i32
      %dma_wait3A_152 = arith.constant 0 : i32
      %dma_wait3A_153 = tpu.memref_slice %arg2[%arg0, %dma_wait3A_151, %dma_wait3A_152] : memref<2x10000x64xf32, #tpu.memory_space<hbm>> -> memref<1x10000x64xf32, #tpu.memory_space<hbm>>
      %dma_wait3A_154 = tpu.memref_squeeze %dma_wait3A_153 : memref<1x10000x64xf32, #tpu.memory_space<hbm>> -> memref<10000x64xf32, #tpu.memory_space<hbm>>
      %dma_wait3A_155 = arith.constant 0 : i32
      %dma_wait3A_156 = arith.constant 0 : i32
      %dma_wait3A_157 = tpu.memref_slice %dma_wait3A_154[%dma_wait3A_155, %dma_wait3A_156] : memref<10000x64xf32, #tpu.memory_space<hbm>> -> memref<10000x64xf32, #tpu.memory_space<hbm>>
      tpu.wait_indirect_dma semaphore(%arg12 : memref<!tpu.dma_semaphore, #tpu.memory_space<semaphore_mem>>) src(%dma_wait3A_157 : memref<10000x64xf32, #tpu.memory_space<hbm>>) dst(%dma_wait3A_147 : memref<128x64xf32, #tpu.memory_space<vmem>>)
      %dma_wait3A_158 = arith.constant 1 : i32
      %dma_wait3A_159 = arith.constant 128 : i32
      %dma_wait3A_160 = arith.constant 0 : i32
      %dma_wait3A_161 = tpu.memref_slice %arg9[%dma_wait3A_159, %dma_wait3A_160] : memref<256x64xf32, #tpu.memory_space<vmem>> -> memref<128x64xf32, #tpu.memory_space<vmem>>
      %dma_wait3A_162 = arith.constant 0 : i32
      %dma_wait3A_163 = tpu.memref_slice %arg6[%dma_wait3A_158, %dma_wait3A_162] : memref<160x128xi32, #tpu.memory_space<vmem>> -> memref<1x128xi32, #tpu.memory_space<vmem>>
      %dma_wait3A_164 = tpu.memref_squeeze %dma_wait3A_163 : memref<1x128xi32, #tpu.memory_space<vmem>> -> memref<128xi32, #tpu.memory_space<vmem>>
      %dma_wait3A_165 = arith.constant 0 : i32
      %dma_wait3A_166 = arith.constant 0 : i32
      %dma_wait3A_167 = tpu.memref_slice %arg2[%arg0, %dma_wait3A_165, %dma_wait3A_166] : memref<2x10000x64xf32, #tpu.memory_space<hbm>> -> memref<1x10000x64xf32, #tpu.memory_space<hbm>>
      %dma_wait3A_168 = tpu.memref_squeeze %dma_wait3A_167 : memref<1x10000x64xf32, #tpu.memory_space<hbm>> -> memref<10000x64xf32, #tpu.memory_space<hbm>>
      %dma_wait3A_169 = arith.constant 0 : i32
      %dma_wait3A_170 = arith.constant 0 : i32
      %dma_wait3A_171 = tpu.memref_slice %dma_wait3A_168[%dma_wait3A_169, %dma_wait3A_170] : memref<10000x64xf32, #tpu.memory_space<hbm>> -> memref<10000x64xf32, #tpu.memory_space<hbm>>
      tpu.wait_indirect_dma semaphore(%arg12 : memref<!tpu.dma_semaphore, #tpu.memory_space<semaphore_mem>>) src(%dma_wait3A_171 : memref<10000x64xf32, #tpu.memory_space<hbm>>) dst(%dma_wait3A_161 : memref<128x64xf32, #tpu.memory_space<vmem>>)
      %add3A_172 = arith.constant 2 : i32
      %add3A_173 = arith.addi %mul3A_71, %add3A_172 : i32
      %add3A_174 = arith.constant 0 : i32
      %add3A_175 = arith.addi %add3A_173, %add3A_174 : i32
      %dma_start3A_176 = arith.constant 0 : i32
      %dma_start3A_177 = arith.constant 0 : i32
      %dma_start3A_178 = tpu.memref_slice %arg9[%dma_start3A_176, %dma_start3A_177] : memref<256x64xf32, #tpu.memory_space<vmem>> -> memref<128x64xf32, #tpu.memory_space<vmem>>
      %dma_start3A_179 = arith.constant 0 : i32
      %dma_start3A_180 = tpu.memref_slice %arg7[%add3A_175, %dma_start3A_179] : memref<160x128xi32, #tpu.memory_space<vmem>> -> memref<1x128xi32, #tpu.memory_space<vmem>>
      %dma_start3A_181 = tpu.memref_squeeze %dma_start3A_180 : memref<1x128xi32, #tpu.memory_space<vmem>> -> memref<128xi32, #tpu.memory_space<vmem>>
      %dma_start3A_182 = arith.constant 0 : i32
      %dma_start3A_183 = arith.constant 0 : i32
      %dma_start3A_184 = tpu.memref_slice %arg10[%dma_start3A_182, %dma_start3A_183] : memref<10112x64xf32, #tpu.memory_space<vmem_shared>> -> memref<10112x64xf32, #tpu.memory_space<vmem_shared>>
      tpu.enqueue_indirect_dma source(%dma_start3A_178 : memref<128x64xf32, #tpu.memory_space<vmem>>) target(%dma_start3A_184 : memref<10112x64xf32, #tpu.memory_space<vmem_shared>>) offsets(%dma_start3A_181 : memref<128xi32, #tpu.memory_space<vmem>>) semaphore(%arg13 : memref<!tpu.dma_semaphore, #tpu.memory_space<semaphore_mem>>) {add = true}
      %add3A_185 = arith.constant 1 : i32
      %add3A_186 = arith.addi %add3A_173, %add3A_185 : i32
      %dma_start3A_187 = arith.constant 128 : i32
      %dma_start3A_188 = arith.constant 0 : i32
      %dma_start3A_189 = tpu.memref_slice %arg9[%dma_start3A_187, %dma_start3A_188] : memref<256x64xf32, #tpu.memory_space<vmem>> -> memref<128x64xf32, #tpu.memory_space<vmem>>
      %dma_start3A_190 = arith.constant 0 : i32
      %dma_start3A_191 = tpu.memref_slice %arg7[%add3A_186, %dma_start3A_190] : memref<160x128xi32, #tpu.memory_space<vmem>> -> memref<1x128xi32, #tpu.memory_space<vmem>>
      %dma_start3A_192 = tpu.memref_squeeze %dma_start3A_191 : memref<1x128xi32, #tpu.memory_space<vmem>> -> memref<128xi32, #tpu.memory_space<vmem>>
      %dma_start3A_193 = arith.constant 0 : i32
      %dma_start3A_194 = arith.constant 0 : i32
      %dma_start3A_195 = tpu.memref_slice %arg10[%dma_start3A_193, %dma_start3A_194] : memref<10112x64xf32, #tpu.memory_space<vmem_shared>> -> memref<10112x64xf32, #tpu.memory_space<vmem_shared>>
      tpu.enqueue_indirect_dma source(%dma_start3A_189 : memref<128x64xf32, #tpu.memory_space<vmem>>) target(%dma_start3A_195 : memref<10112x64xf32, #tpu.memory_space<vmem_shared>>) offsets(%dma_start3A_192 : memref<128xi32, #tpu.memory_space<vmem>>) semaphore(%arg13 : memref<!tpu.dma_semaphore, #tpu.memory_space<semaphore_mem>>) {add = true}
      %dma_wait3A_196 = arith.constant 0 : i32
      %dma_wait3A_197 = arith.constant 0 : i32
      %dma_wait3A_198 = arith.constant 0 : i32
      %dma_wait3A_199 = tpu.memref_slice %arg9[%dma_wait3A_197, %dma_wait3A_198] : memref<256x64xf32, #tpu.memory_space<vmem>> -> memref<128x64xf32, #tpu.memory_space<vmem>>
      %dma_wait3A_200 = arith.constant 0 : i32
      %dma_wait3A_201 = tpu.memref_slice %arg7[%dma_wait3A_196, %dma_wait3A_200] : memref<160x128xi32, #tpu.memory_space<vmem>> -> memref<1x128xi32, #tpu.memory_space<vmem>>
      %dma_wait3A_202 = tpu.memref_squeeze %dma_wait3A_201 : memref<1x128xi32, #tpu.memory_space<vmem>> -> memref<128xi32, #tpu.memory_space<vmem>>
      %dma_wait3A_203 = arith.constant 0 : i32
      %dma_wait3A_204 = arith.constant 0 : i32
      %dma_wait3A_205 = tpu.memref_slice %arg10[%dma_wait3A_203, %dma_wait3A_204] : memref<10112x64xf32, #tpu.memory_space<vmem_shared>> -> memref<10112x64xf32, #tpu.memory_space<vmem_shared>>
      tpu.wait_indirect_dma semaphore(%arg13 : memref<!tpu.dma_semaphore, #tpu.memory_space<semaphore_mem>>) src(%dma_wait3A_199 : memref<128x64xf32, #tpu.memory_space<vmem>>) dst(%dma_wait3A_205 : memref<10112x64xf32, #tpu.memory_space<vmem_shared>>)
      %dma_wait3A_206 = arith.constant 1 : i32
      %dma_wait3A_207 = arith.constant 128 : i32
      %dma_wait3A_208 = arith.constant 0 : i32
      %dma_wait3A_209 = tpu.memref_slice %arg9[%dma_wait3A_207, %dma_wait3A_208] : memref<256x64xf32, #tpu.memory_space<vmem>> -> memref<128x64xf32, #tpu.memory_space<vmem>>
      %dma_wait3A_210 = arith.constant 0 : i32
      %dma_wait3A_211 = tpu.memref_slice %arg7[%dma_wait3A_206, %dma_wait3A_210] : memref<160x128xi32, #tpu.memory_space<vmem>> -> memref<1x128xi32, #tpu.memory_space<vmem>>
      %dma_wait3A_212 = tpu.memref_squeeze %dma_wait3A_211 : memref<1x128xi32, #tpu.memory_space<vmem>> -> memref<128xi32, #tpu.memory_space<vmem>>
      %dma_wait3A_213 = arith.constant 0 : i32
      %dma_wait3A_214 = arith.constant 0 : i32
      %dma_wait3A_215 = tpu.memref_slice %arg10[%dma_wait3A_213, %dma_wait3A_214] : memref<10112x64xf32, #tpu.memory_space<vmem_shared>> -> memref<10112x64xf32, #tpu.memory_space<vmem_shared>>
      tpu.wait_indirect_dma semaphore(%arg13 : memref<!tpu.dma_semaphore, #tpu.memory_space<semaphore_mem>>) src(%dma_wait3A_209 : memref<128x64xf32, #tpu.memory_space<vmem>>) dst(%dma_wait3A_215 : memref<10112x64xf32, #tpu.memory_space<vmem_shared>>)
      %add3A_216 = arith.constant 6 : i32
      %add3A_217 = arith.addi %mul3A_71, %add3A_216 : i32
      %lt3A_218 = arith.constant 160 : i32
      %lt3A_219 = arith.cmpi slt, %add3A_217, %lt3A_218 : i32
      %convert_element_type3A_220 = arith.extui %lt3A_219 : i1 to i32
      %cond3A_221 = arith.constant 0 : i32
      %cond3A_222 = arith.cmpi ne, %convert_element_type3A_220, %cond3A_221 : i32
      scf.if %cond3A_222 {
        %add3A_223 = arith.constant 6 : i32
        %add3A_224 = arith.addi %mul3A_71, %add3A_223 : i32
        %add3A_225 = arith.constant 0 : i32
        %add3A_226 = arith.addi %add3A_224, %add3A_225 : i32
        %dma_start3A_227 = arith.constant 0 : i32
        %dma_start3A_228 = arith.constant 0 : i32
        %dma_start3A_229 = tpu.memref_slice %arg9[%dma_start3A_227, %dma_start3A_228] : memref<256x64xf32, #tpu.memory_space<vmem>> -> memref<128x64xf32, #tpu.memory_space<vmem>>
        %dma_start3A_230 = arith.constant 0 : i32
        %dma_start3A_231 = tpu.memref_slice %arg6[%add3A_226, %dma_start3A_230] : memref<160x128xi32, #tpu.memory_space<vmem>> -> memref<1x128xi32, #tpu.memory_space<vmem>>
        %dma_start3A_232 = tpu.memref_squeeze %dma_start3A_231 : memref<1x128xi32, #tpu.memory_space<vmem>> -> memref<128xi32, #tpu.memory_space<vmem>>
        %dma_start3A_233 = arith.constant 0 : i32
        %dma_start3A_234 = arith.constant 0 : i32
        %dma_start3A_235 = tpu.memref_slice %arg2[%arg0, %dma_start3A_233, %dma_start3A_234] : memref<2x10000x64xf32, #tpu.memory_space<hbm>> -> memref<1x10000x64xf32, #tpu.memory_space<hbm>>
        %dma_start3A_236 = tpu.memref_squeeze %dma_start3A_235 : memref<1x10000x64xf32, #tpu.memory_space<hbm>> -> memref<10000x64xf32, #tpu.memory_space<hbm>>
        %dma_start3A_237 = arith.constant 0 : i32
        %dma_start3A_238 = arith.constant 0 : i32
        %dma_start3A_239 = tpu.memref_slice %dma_start3A_236[%dma_start3A_237, %dma_start3A_238] : memref<10000x64xf32, #tpu.memory_space<hbm>> -> memref<10000x64xf32, #tpu.memory_space<hbm>>
        tpu.enqueue_indirect_dma source(%dma_start3A_239 : memref<10000x64xf32, #tpu.memory_space<hbm>>) target(%dma_start3A_229 : memref<128x64xf32, #tpu.memory_space<vmem>>) offsets(%dma_start3A_232 : memref<128xi32, #tpu.memory_space<vmem>>) semaphore(%arg12 : memref<!tpu.dma_semaphore, #tpu.memory_space<semaphore_mem>>)
        %add3A_240 = arith.constant 1 : i32
        %add3A_241 = arith.addi %add3A_224, %add3A_240 : i32
        %dma_start3A_242 = arith.constant 128 : i32
        %dma_start3A_243 = arith.constant 0 : i32
        %dma_start3A_244 = tpu.memref_slice %arg9[%dma_start3A_242, %dma_start3A_243] : memref<256x64xf32, #tpu.memory_space<vmem>> -> memref<128x64xf32, #tpu.memory_space<vmem>>
        %dma_start3A_245 = arith.constant 0 : i32
        %dma_start3A_246 = tpu.memref_slice %arg6[%add3A_241, %dma_start3A_245] : memref<160x128xi32, #tpu.memory_space<vmem>> -> memref<1x128xi32, #tpu.memory_space<vmem>>
        %dma_start3A_247 = tpu.memref_squeeze %dma_start3A_246 : memref<1x128xi32, #tpu.memory_space<vmem>> -> memref<128xi32, #tpu.memory_space<vmem>>
        %dma_start3A_248 = arith.constant 0 : i32
        %dma_start3A_249 = arith.constant 0 : i32
        %dma_start3A_250 = tpu.memref_slice %arg2[%arg0, %dma_start3A_248, %dma_start3A_249] : memref<2x10000x64xf32, #tpu.memory_space<hbm>> -> memref<1x10000x64xf32, #tpu.memory_space<hbm>>
        %dma_start3A_251 = tpu.memref_squeeze %dma_start3A_250 : memref<1x10000x64xf32, #tpu.memory_space<hbm>> -> memref<10000x64xf32, #tpu.memory_space<hbm>>
        %dma_start3A_252 = arith.constant 0 : i32
        %dma_start3A_253 = arith.constant 0 : i32
        %dma_start3A_254 = tpu.memref_slice %dma_start3A_251[%dma_start3A_252, %dma_start3A_253] : memref<10000x64xf32, #tpu.memory_space<hbm>> -> memref<10000x64xf32, #tpu.memory_space<hbm>>
        tpu.enqueue_indirect_dma source(%dma_start3A_254 : memref<10000x64xf32, #tpu.memory_space<hbm>>) target(%dma_start3A_244 : memref<128x64xf32, #tpu.memory_space<vmem>>) offsets(%dma_start3A_247 : memref<128xi32, #tpu.memory_space<vmem>>) semaphore(%arg12 : memref<!tpu.dma_semaphore, #tpu.memory_space<semaphore_mem>>)
      } else {
      }
    }
    %scan3A_63 = arith.constant 40 : i32
    %barrier3A_64 = arith.constant 0 : index
    tpu.barrier barrier_id(%barrier3A_64)
    %mul3A_65 = arith.constant 632 : i32
    %mul3A_66 = arith.muli %arg1, %mul3A_65 : i32
    "tpu.region"() ({
      %run_scoped3A_67 = tpu.sem_alloc : memref<!tpu.dma_semaphore, #tpu.memory_space<semaphore_mem>>
      %dma_start3A_68 = arith.constant 0 : i32
      %dma_start3A_69 = tpu.memref_slice %arg5[%arg0, %mul3A_66, %dma_start3A_68] : memref<2x10112x64xf32, #tpu.memory_space<hbm>> -> memref<1x632x64xf32, #tpu.memory_space<hbm>>
      %dma_start3A_70 = tpu.memref_squeeze %dma_start3A_69 : memref<1x632x64xf32, #tpu.memory_space<hbm>> -> memref<632x64xf32, #tpu.memory_space<hbm>>
      %dma_start3A_71 = arith.constant 0 : i32
      %dma_start3A_72 = tpu.memref_slice %arg10[%mul3A_66, %dma_start3A_71] : memref<10112x64xf32, #tpu.memory_space<vmem_shared>> -> memref<632x64xf32, #tpu.memory_space<vmem_shared>>
      tpu.enqueue_dma source(%dma_start3A_72 : memref<632x64xf32, #tpu.memory_space<vmem_shared>>) target(%dma_start3A_70 : memref<632x64xf32, #tpu.memory_space<hbm>>) target_semaphore(%run_scoped3A_67 : memref<!tpu.dma_semaphore, #tpu.memory_space<semaphore_mem>>)
      %dma_wait3A = arith.constant 0 : i32
      %dma_wait3A_73 = tpu.memref_slice %arg5[%arg0, %mul3A_66, %dma_wait3A] : memref<2x10112x64xf32, #tpu.memory_space<hbm>> -> memref<1x632x64xf32, #tpu.memory_space<hbm>>
      %dma_wait3A_74 = tpu.memref_squeeze %dma_wait3A_73 : memref<1x632x64xf32, #tpu.memory_space<hbm>> -> memref<632x64xf32, #tpu.memory_space<hbm>>
      %dma_wait3A_75 = arith.constant 0 : i32
      %dma_wait3A_76 = tpu.memref_slice %arg10[%mul3A_66, %dma_wait3A_75] : memref<10112x64xf32, #tpu.memory_space<vmem_shared>> -> memref<632x64xf32, #tpu.memory_space<vmem_shared>>
      tpu.wait_dma2 semaphore(%run_scoped3A_67 : memref<!tpu.dma_semaphore, #tpu.memory_space<semaphore_mem>>) src(%dma_wait3A_76 : memref<632x64xf32, #tpu.memory_space<vmem_shared>>) dst(%dma_wait3A_74 : memref<632x64xf32, #tpu.memory_space<hbm>>)
      tpu.yield
    }) : () -> ()
    return
  }
}

#map = affine_map<(d0, d1) -> (0, 0, 0)>
#map1 = affine_map<(d0, d1) -> (0, 0)>
module attributes {stable_mosaic.version = 14 : i64} {
  func.func @seg_sum_cnt(%arg0: i32, %arg1: i32, %arg2: memref<2x10000x64xf32, #tpu.memory_space<hbm>>, %arg3: memref<2x2560x128xi32, #tpu.memory_space<hbm>>, %arg4: memref<632x64xf32, #tpu.memory_space<hbm>>, %arg5: memref<632x16xf32, #tpu.memory_space<hbm>>, %arg6: memref<128x16xf32, #tpu.memory_space<hbm>>, %arg7: memref<2x10112x64xf32, #tpu.memory_space<hbm>>, %arg8: memref<2x10112x16xf32, #tpu.memory_space<hbm>>, %arg9: memref<160x128xi32, #tpu.memory_space<vmem>>, %arg10: memref<160x128xi32, #tpu.memory_space<vmem>>, %arg11: memref<256x64xf32, #tpu.memory_space<vmem>>, %arg12: memref<256x64xf32, #tpu.memory_space<vmem>>, %arg13: memref<128x16xf32, #tpu.memory_space<vmem>>, %arg14: memref<10112x64xf32, #tpu.memory_space<vmem_shared>>, %arg15: memref<10112x16xf32, #tpu.memory_space<vmem_shared>>, %arg16: memref<!tpu.dma_semaphore, #tpu.memory_space<semaphore_mem>>, %arg17: memref<!tpu.dma_semaphore, #tpu.memory_space<semaphore_mem>>, %arg18: memref<!tpu.dma_semaphore, #tpu.memory_space<semaphore_mem>>, %arg19: memref<!tpu.dma_semaphore, #tpu.memory_space<semaphore_mem>>) attributes {dimension_semantics = [#tpu.dimension_semantics<core_parallel>, #tpu.dimension_semantics<subcore_parallel>], iteration_bounds = array<i64: 2, 16>, scalar_prefetch = 0 : i64, scratch_operands = 11 : i64, tpu.core_type = #tpu.core_type<sc_vector_subcore>, window_params = [{transform_indices = #map}, {transform_indices = #map}, {transform_indices = #map1}, {transform_indices = #map1}, {transform_indices = #map1}, {transform_indices = #map}, {transform_indices = #map}]} {
    %mul3A = arith.constant 632 : i32
    %mul3A_0 = arith.muli %arg1, %mul3A : i32
    "tpu.region"() ({
      %run_scoped3A_69 = tpu.sem_alloc : memref<!tpu.dma_semaphore, #tpu.memory_space<semaphore_mem>>
      %dma_start3A_70 = arith.constant 0 : i32
      %dma_start3A_71 = tpu.memref_slice %arg14[%mul3A_0, %dma_start3A_70] : memref<10112x64xf32, #tpu.memory_space<vmem_shared>> -> memref<632x64xf32, #tpu.memory_space<vmem_shared>>
      tpu.enqueue_dma source(%arg4 : memref<632x64xf32, #tpu.memory_space<hbm>>) target(%dma_start3A_71 : memref<632x64xf32, #tpu.memory_space<vmem_shared>>) target_semaphore(%run_scoped3A_69 : memref<!tpu.dma_semaphore, #tpu.memory_space<semaphore_mem>>)
      %dma_wait3A = arith.constant 0 : i32
      %dma_wait3A_72 = tpu.memref_slice %arg14[%mul3A_0, %dma_wait3A] : memref<10112x64xf32, #tpu.memory_space<vmem_shared>> -> memref<632x64xf32, #tpu.memory_space<vmem_shared>>
      tpu.wait_dma2 semaphore(%run_scoped3A_69 : memref<!tpu.dma_semaphore, #tpu.memory_space<semaphore_mem>>) src(%arg4 : memref<632x64xf32, #tpu.memory_space<hbm>>) dst(%dma_wait3A_72 : memref<632x64xf32, #tpu.memory_space<vmem_shared>>)
      tpu.yield
    }) : () -> ()
    %mul3A_1 = arith.constant 632 : i32
    %mul3A_2 = arith.muli %arg1, %mul3A_1 : i32
    "tpu.region"() ({
      %run_scoped3A_69 = tpu.sem_alloc : memref<!tpu.dma_semaphore, #tpu.memory_space<semaphore_mem>>
      %dma_start3A_70 = arith.constant 0 : i32
      %dma_start3A_71 = tpu.memref_slice %arg15[%mul3A_2, %dma_start3A_70] : memref<10112x16xf32, #tpu.memory_space<vmem_shared>> -> memref<632x16xf32, #tpu.memory_space<vmem_shared>>
      tpu.enqueue_dma source(%arg5 : memref<632x16xf32, #tpu.memory_space<hbm>>) target(%dma_start3A_71 : memref<632x16xf32, #tpu.memory_space<vmem_shared>>) target_semaphore(%run_scoped3A_69 : memref<!tpu.dma_semaphore, #tpu.memory_space<semaphore_mem>>)
      %dma_wait3A = arith.constant 0 : i32
      %dma_wait3A_72 = tpu.memref_slice %arg15[%mul3A_2, %dma_wait3A] : memref<10112x16xf32, #tpu.memory_space<vmem_shared>> -> memref<632x16xf32, #tpu.memory_space<vmem_shared>>
      tpu.wait_dma2 semaphore(%run_scoped3A_69 : memref<!tpu.dma_semaphore, #tpu.memory_space<semaphore_mem>>) src(%arg5 : memref<632x16xf32, #tpu.memory_space<hbm>>) dst(%dma_wait3A_72 : memref<632x16xf32, #tpu.memory_space<vmem_shared>>)
      tpu.yield
    }) : () -> ()
    "tpu.region"() ({
      %run_scoped3A_69 = tpu.sem_alloc : memref<!tpu.dma_semaphore, #tpu.memory_space<semaphore_mem>>
      tpu.enqueue_dma source(%arg6 : memref<128x16xf32, #tpu.memory_space<hbm>>) target(%arg13 : memref<128x16xf32, #tpu.memory_space<vmem>>) target_semaphore(%run_scoped3A_69 : memref<!tpu.dma_semaphore, #tpu.memory_space<semaphore_mem>>)
      tpu.wait_dma2 semaphore(%run_scoped3A_69 : memref<!tpu.dma_semaphore, #tpu.memory_space<semaphore_mem>>) src(%arg6 : memref<128x16xf32, #tpu.memory_space<hbm>>) dst(%arg13 : memref<128x16xf32, #tpu.memory_space<vmem>>)
      tpu.yield
    }) : () -> ()
    %mul3A_3 = arith.constant 160 : i32
    %mul3A_4 = arith.muli %arg1, %mul3A_3 : i32
    %run_scoped3A = arith.constant 0 : i32
    "tpu.region"() ({
      %run_scoped3A_69 = tpu.sem_alloc : memref<!tpu.dma_semaphore, #tpu.memory_space<semaphore_mem>>
      %dma_start3A_70 = arith.constant 0 : i32
      %dma_start3A_71 = tpu.memref_slice %arg3[%run_scoped3A, %mul3A_4, %dma_start3A_70] : memref<2x2560x128xi32, #tpu.memory_space<hbm>> -> memref<1x160x128xi32, #tpu.memory_space<hbm>>
      %dma_start3A_72 = tpu.memref_squeeze %dma_start3A_71 : memref<1x160x128xi32, #tpu.memory_space<hbm>> -> memref<160x128xi32, #tpu.memory_space<hbm>>
      %dma_start3A_73 = arith.constant 0 : i32
      %dma_start3A_74 = tpu.memref_slice %arg3[%run_scoped3A, %mul3A_4, %dma_start3A_73] : memref<2x2560x128xi32, #tpu.memory_space<hbm>> -> memref<1x160x128xi32, #tpu.memory_space<hbm>>
      %dma_start3A_75 = tpu.memref_squeeze %dma_start3A_74 : memref<1x160x128xi32, #tpu.memory_space<hbm>> -> memref<160x128xi32, #tpu.memory_space<hbm>>
      tpu.enqueue_dma source(%dma_start3A_75 : memref<160x128xi32, #tpu.memory_space<hbm>>) target(%arg9 : memref<160x128xi32, #tpu.memory_space<vmem>>) target_semaphore(%run_scoped3A_69 : memref<!tpu.dma_semaphore, #tpu.memory_space<semaphore_mem>>)
      %dma_wait3A = arith.constant 0 : i32
      %dma_wait3A_76 = tpu.memref_slice %arg3[%run_scoped3A, %mul3A_4, %dma_wait3A] : memref<2x2560x128xi32, #tpu.memory_space<hbm>> -> memref<1x160x128xi32, #tpu.memory_space<hbm>>
      %dma_wait3A_77 = tpu.memref_squeeze %dma_wait3A_76 : memref<1x160x128xi32, #tpu.memory_space<hbm>> -> memref<160x128xi32, #tpu.memory_space<hbm>>
      %dma_wait3A_78 = arith.constant 0 : i32
      %dma_wait3A_79 = tpu.memref_slice %arg3[%run_scoped3A, %mul3A_4, %dma_wait3A_78] : memref<2x2560x128xi32, #tpu.memory_space<hbm>> -> memref<1x160x128xi32, #tpu.memory_space<hbm>>
      %dma_wait3A_80 = tpu.memref_squeeze %dma_wait3A_79 : memref<1x160x128xi32, #tpu.memory_space<hbm>> -> memref<160x128xi32, #tpu.memory_space<hbm>>
      tpu.wait_dma2 semaphore(%run_scoped3A_69 : memref<!tpu.dma_semaphore, #tpu.memory_space<semaphore_mem>>) src(%dma_wait3A_80 : memref<160x128xi32, #tpu.memory_space<hbm>>) dst(%arg9 : memref<160x128xi32, #tpu.memory_space<vmem>>)
      tpu.yield
    }) : () -> ()
    %run_scoped3A_5 = arith.constant 1 : i32
    "tpu.region"() ({
      %run_scoped3A_69 = tpu.sem_alloc : memref<!tpu.dma_semaphore, #tpu.memory_space<semaphore_mem>>
      %dma_start3A_70 = arith.constant 0 : i32
      %dma_start3A_71 = tpu.memref_slice %arg3[%run_scoped3A_5, %mul3A_4, %dma_start3A_70] : memref<2x2560x128xi32, #tpu.memory_space<hbm>> -> memref<1x160x128xi32, #tpu.memory_space<hbm>>
      %dma_start3A_72 = tpu.memref_squeeze %dma_start3A_71 : memref<1x160x128xi32, #tpu.memory_space<hbm>> -> memref<160x128xi32, #tpu.memory_space<hbm>>
      %dma_start3A_73 = arith.constant 0 : i32
      %dma_start3A_74 = tpu.memref_slice %arg3[%run_scoped3A_5, %mul3A_4, %dma_start3A_73] : memref<2x2560x128xi32, #tpu.memory_space<hbm>> -> memref<1x160x128xi32, #tpu.memory_space<hbm>>
      %dma_start3A_75 = tpu.memref_squeeze %dma_start3A_74 : memref<1x160x128xi32, #tpu.memory_space<hbm>> -> memref<160x128xi32, #tpu.memory_space<hbm>>
      tpu.enqueue_dma source(%dma_start3A_75 : memref<160x128xi32, #tpu.memory_space<hbm>>) target(%arg10 : memref<160x128xi32, #tpu.memory_space<vmem>>) target_semaphore(%run_scoped3A_69 : memref<!tpu.dma_semaphore, #tpu.memory_space<semaphore_mem>>)
      %dma_wait3A = arith.constant 0 : i32
      %dma_wait3A_76 = tpu.memref_slice %arg3[%run_scoped3A_5, %mul3A_4, %dma_wait3A] : memref<2x2560x128xi32, #tpu.memory_space<hbm>> -> memref<1x160x128xi32, #tpu.memory_space<hbm>>
      %dma_wait3A_77 = tpu.memref_squeeze %dma_wait3A_76 : memref<1x160x128xi32, #tpu.memory_space<hbm>> -> memref<160x128xi32, #tpu.memory_space<hbm>>
      %dma_wait3A_78 = arith.constant 0 : i32
      %dma_wait3A_79 = tpu.memref_slice %arg3[%run_scoped3A_5, %mul3A_4, %dma_wait3A_78] : memref<2x2560x128xi32, #tpu.memory_space<hbm>> -> memref<1x160x128xi32, #tpu.memory_space<hbm>>
      %dma_wait3A_80 = tpu.memref_squeeze %dma_wait3A_79 : memref<1x160x128xi32, #tpu.memory_space<hbm>> -> memref<160x128xi32, #tpu.memory_space<hbm>>
      tpu.wait_dma2 semaphore(%run_scoped3A_69 : memref<!tpu.dma_semaphore, #tpu.memory_space<semaphore_mem>>) src(%dma_wait3A_80 : memref<160x128xi32, #tpu.memory_space<hbm>>) dst(%arg10 : memref<160x128xi32, #tpu.memory_space<vmem>>)
      tpu.yield
    }) : () -> ()
    %barrier3A = arith.constant 0 : index
    tpu.barrier barrier_id(%barrier3A)
    %dma_start3A = arith.constant 0 : i32
    %dma_start3A_6 = arith.constant 0 : i32
    %dma_start3A_7 = arith.constant 0 : i32
    %dma_start3A_8 = tpu.memref_slice %arg11[%dma_start3A_6, %dma_start3A_7] : memref<256x64xf32, #tpu.memory_space<vmem>> -> memref<128x64xf32, #tpu.memory_space<vmem>>
    %dma_start3A_9 = arith.constant 0 : i32
    %dma_start3A_10 = tpu.memref_slice %arg9[%dma_start3A, %dma_start3A_9] : memref<160x128xi32, #tpu.memory_space<vmem>> -> memref<1x128xi32, #tpu.memory_space<vmem>>
    %dma_start3A_11 = tpu.memref_squeeze %dma_start3A_10 : memref<1x128xi32, #tpu.memory_space<vmem>> -> memref<128xi32, #tpu.memory_space<vmem>>
    %dma_start3A_12 = arith.constant 0 : i32
    %dma_start3A_13 = arith.constant 0 : i32
    %dma_start3A_14 = tpu.memref_slice %arg2[%arg0, %dma_start3A_12, %dma_start3A_13] : memref<2x10000x64xf32, #tpu.memory_space<hbm>> -> memref<1x10000x64xf32, #tpu.memory_space<hbm>>
    %dma_start3A_15 = tpu.memref_squeeze %dma_start3A_14 : memref<1x10000x64xf32, #tpu.memory_space<hbm>> -> memref<10000x64xf32, #tpu.memory_space<hbm>>
    %dma_start3A_16 = arith.constant 0 : i32
    %dma_start3A_17 = arith.constant 0 : i32
    %dma_start3A_18 = tpu.memref_slice %dma_start3A_15[%dma_start3A_16, %dma_start3A_17] : memref<10000x64xf32, #tpu.memory_space<hbm>> -> memref<10000x64xf32, #tpu.memory_space<hbm>>
    tpu.enqueue_indirect_dma source(%dma_start3A_18 : memref<10000x64xf32, #tpu.memory_space<hbm>>) target(%dma_start3A_8 : memref<128x64xf32, #tpu.memory_space<vmem>>) offsets(%dma_start3A_11 : memref<128xi32, #tpu.memory_space<vmem>>) semaphore(%arg16 : memref<!tpu.dma_semaphore, #tpu.memory_space<semaphore_mem>>)
    %dma_start3A_19 = arith.constant 1 : i32
    %dma_start3A_20 = arith.constant 128 : i32
    %dma_start3A_21 = arith.constant 0 : i32
    %dma_start3A_22 = tpu.memref_slice %arg11[%dma_start3A_20, %dma_start3A_21] : memref<256x64xf32, #tpu.memory_space<vmem>> -> memref<128x64xf32, #tpu.memory_space<vmem>>
    %dma_start3A_23 = arith.constant 0 : i32
    %dma_start3A_24 = tpu.memref_slice %arg9[%dma_start3A_19, %dma_start3A_23] : memref<160x128xi32, #tpu.memory_space<vmem>> -> memref<1x128xi32, #tpu.memory_space<vmem>>
    %dma_start3A_25 = tpu.memref_squeeze %dma_start3A_24 : memref<1x128xi32, #tpu.memory_space<vmem>> -> memref<128xi32, #tpu.memory_space<vmem>>
    %dma_start3A_26 = arith.constant 0 : i32
    %dma_start3A_27 = arith.constant 0 : i32
    %dma_start3A_28 = tpu.memref_slice %arg2[%arg0, %dma_start3A_26, %dma_start3A_27] : memref<2x10000x64xf32, #tpu.memory_space<hbm>> -> memref<1x10000x64xf32, #tpu.memory_space<hbm>>
    %dma_start3A_29 = tpu.memref_squeeze %dma_start3A_28 : memref<1x10000x64xf32, #tpu.memory_space<hbm>> -> memref<10000x64xf32, #tpu.memory_space<hbm>>
    %dma_start3A_30 = arith.constant 0 : i32
    %dma_start3A_31 = arith.constant 0 : i32
    %dma_start3A_32 = tpu.memref_slice %dma_start3A_29[%dma_start3A_30, %dma_start3A_31] : memref<10000x64xf32, #tpu.memory_space<hbm>> -> memref<10000x64xf32, #tpu.memory_space<hbm>>
    tpu.enqueue_indirect_dma source(%dma_start3A_32 : memref<10000x64xf32, #tpu.memory_space<hbm>>) target(%dma_start3A_22 : memref<128x64xf32, #tpu.memory_space<vmem>>) offsets(%dma_start3A_25 : memref<128xi32, #tpu.memory_space<vmem>>) semaphore(%arg16 : memref<!tpu.dma_semaphore, #tpu.memory_space<semaphore_mem>>)
    %dma_start3A_33 = arith.constant 2 : i32
    %dma_start3A_34 = arith.constant 0 : i32
    %dma_start3A_35 = arith.constant 0 : i32
    %dma_start3A_36 = tpu.memref_slice %arg12[%dma_start3A_34, %dma_start3A_35] : memref<256x64xf32, #tpu.memory_space<vmem>> -> memref<128x64xf32, #tpu.memory_space<vmem>>
    %dma_start3A_37 = arith.constant 0 : i32
    %dma_start3A_38 = tpu.memref_slice %arg9[%dma_start3A_33, %dma_start3A_37] : memref<160x128xi32, #tpu.memory_space<vmem>> -> memref<1x128xi32, #tpu.memory_space<vmem>>
    %dma_start3A_39 = tpu.memref_squeeze %dma_start3A_38 : memref<1x128xi32, #tpu.memory_space<vmem>> -> memref<128xi32, #tpu.memory_space<vmem>>
    %dma_start3A_40 = arith.constant 0 : i32
    %dma_start3A_41 = arith.constant 0 : i32
    %dma_start3A_42 = tpu.memref_slice %arg2[%arg0, %dma_start3A_40, %dma_start3A_41] : memref<2x10000x64xf32, #tpu.memory_space<hbm>> -> memref<1x10000x64xf32, #tpu.memory_space<hbm>>
    %dma_start3A_43 = tpu.memref_squeeze %dma_start3A_42 : memref<1x10000x64xf32, #tpu.memory_space<hbm>> -> memref<10000x64xf32, #tpu.memory_space<hbm>>
    %dma_start3A_44 = arith.constant 0 : i32
    %dma_start3A_45 = arith.constant 0 : i32
    %dma_start3A_46 = tpu.memref_slice %dma_start3A_43[%dma_start3A_44, %dma_start3A_45] : memref<10000x64xf32, #tpu.memory_space<hbm>> -> memref<10000x64xf32, #tpu.memory_space<hbm>>
    tpu.enqueue_indirect_dma source(%dma_start3A_46 : memref<10000x64xf32, #tpu.memory_space<hbm>>) target(%dma_start3A_36 : memref<128x64xf32, #tpu.memory_space<vmem>>) offsets(%dma_start3A_39 : memref<128xi32, #tpu.memory_space<vmem>>) semaphore(%arg17 : memref<!tpu.dma_semaphore, #tpu.memory_space<semaphore_mem>>)
    %dma_start3A_47 = arith.constant 3 : i32
    %dma_start3A_48 = arith.constant 128 : i32
    %dma_start3A_49 = arith.constant 0 : i32
    %dma_start3A_50 = tpu.memref_slice %arg12[%dma_start3A_48, %dma_start3A_49] : memref<256x64xf32, #tpu.memory_space<vmem>> -> memref<128x64xf32, #tpu.memory_space<vmem>>
    %dma_start3A_51 = arith.constant 0 : i32
    %dma_start3A_52 = tpu.memref_slice %arg9[%dma_start3A_47, %dma_start3A_51] : memref<160x128xi32, #tpu.memory_space<vmem>> -> memref<1x128xi32, #tpu.memory_space<vmem>>
    %dma_start3A_53 = tpu.memref_squeeze %dma_start3A_52 : memref<1x128xi32, #tpu.memory_space<vmem>> -> memref<128xi32, #tpu.memory_space<vmem>>
    %dma_start3A_54 = arith.constant 0 : i32
    %dma_start3A_55 = arith.constant 0 : i32
    %dma_start3A_56 = tpu.memref_slice %arg2[%arg0, %dma_start3A_54, %dma_start3A_55] : memref<2x10000x64xf32, #tpu.memory_space<hbm>> -> memref<1x10000x64xf32, #tpu.memory_space<hbm>>
    %dma_start3A_57 = tpu.memref_squeeze %dma_start3A_56 : memref<1x10000x64xf32, #tpu.memory_space<hbm>> -> memref<10000x64xf32, #tpu.memory_space<hbm>>
    %dma_start3A_58 = arith.constant 0 : i32
    %dma_start3A_59 = arith.constant 0 : i32
    %dma_start3A_60 = tpu.memref_slice %dma_start3A_57[%dma_start3A_58, %dma_start3A_59] : memref<10000x64xf32, #tpu.memory_space<hbm>> -> memref<10000x64xf32, #tpu.memory_space<hbm>>
    tpu.enqueue_indirect_dma source(%dma_start3A_60 : memref<10000x64xf32, #tpu.memory_space<hbm>>) target(%dma_start3A_50 : memref<128x64xf32, #tpu.memory_space<vmem>>) offsets(%dma_start3A_53 : memref<128xi32, #tpu.memory_space<vmem>>) semaphore(%arg17 : memref<!tpu.dma_semaphore, #tpu.memory_space<semaphore_mem>>)
    %scan3A = arith.constant 0 : i32
    %scan3A_61 = arith.constant 0 : i32
    %scan3A_62 = arith.constant 40 : i32
    %scan3A_63 = arith.addi %scan3A_61, %scan3A_62 : i32
    %scan3A_64 = arith.constant 1 : i32
    scf.for %scan3A_69 = %scan3A_61 to %scan3A_63 step %scan3A_64  : i32 {
      %mul3A_70 = arith.constant 2 : i32
      %mul3A_71 = arith.muli %mul3A_70, %scan3A_69 : i32
      %mul3A_72 = arith.constant 2 : i32
      %mul3A_73 = arith.muli %mul3A_71, %mul3A_72 : i32
      %dma_wait3A = arith.constant 0 : i32
      %dma_wait3A_74 = arith.constant 0 : i32
      %dma_wait3A_75 = arith.constant 0 : i32
      %dma_wait3A_76 = tpu.memref_slice %arg11[%dma_wait3A_74, %dma_wait3A_75] : memref<256x64xf32, #tpu.memory_space<vmem>> -> memref<128x64xf32, #tpu.memory_space<vmem>>
      %dma_wait3A_77 = arith.constant 0 : i32
      %dma_wait3A_78 = tpu.memref_slice %arg9[%dma_wait3A, %dma_wait3A_77] : memref<160x128xi32, #tpu.memory_space<vmem>> -> memref<1x128xi32, #tpu.memory_space<vmem>>
      %dma_wait3A_79 = tpu.memref_squeeze %dma_wait3A_78 : memref<1x128xi32, #tpu.memory_space<vmem>> -> memref<128xi32, #tpu.memory_space<vmem>>
      %dma_wait3A_80 = arith.constant 0 : i32
      %dma_wait3A_81 = arith.constant 0 : i32
      %dma_wait3A_82 = tpu.memref_slice %arg2[%arg0, %dma_wait3A_80, %dma_wait3A_81] : memref<2x10000x64xf32, #tpu.memory_space<hbm>> -> memref<1x10000x64xf32, #tpu.memory_space<hbm>>
      %dma_wait3A_83 = tpu.memref_squeeze %dma_wait3A_82 : memref<1x10000x64xf32, #tpu.memory_space<hbm>> -> memref<10000x64xf32, #tpu.memory_space<hbm>>
      %dma_wait3A_84 = arith.constant 0 : i32
      %dma_wait3A_85 = arith.constant 0 : i32
      %dma_wait3A_86 = tpu.memref_slice %dma_wait3A_83[%dma_wait3A_84, %dma_wait3A_85] : memref<10000x64xf32, #tpu.memory_space<hbm>> -> memref<10000x64xf32, #tpu.memory_space<hbm>>
      tpu.wait_indirect_dma semaphore(%arg16 : memref<!tpu.dma_semaphore, #tpu.memory_space<semaphore_mem>>) src(%dma_wait3A_86 : memref<10000x64xf32, #tpu.memory_space<hbm>>) dst(%dma_wait3A_76 : memref<128x64xf32, #tpu.memory_space<vmem>>)
      %dma_wait3A_87 = arith.constant 1 : i32
      %dma_wait3A_88 = arith.constant 128 : i32
      %dma_wait3A_89 = arith.constant 0 : i32
      %dma_wait3A_90 = tpu.memref_slice %arg11[%dma_wait3A_88, %dma_wait3A_89] : memref<256x64xf32, #tpu.memory_space<vmem>> -> memref<128x64xf32, #tpu.memory_space<vmem>>
      %dma_wait3A_91 = arith.constant 0 : i32
      %dma_wait3A_92 = tpu.memref_slice %arg9[%dma_wait3A_87, %dma_wait3A_91] : memref<160x128xi32, #tpu.memory_space<vmem>> -> memref<1x128xi32, #tpu.memory_space<vmem>>
      %dma_wait3A_93 = tpu.memref_squeeze %dma_wait3A_92 : memref<1x128xi32, #tpu.memory_space<vmem>> -> memref<128xi32, #tpu.memory_space<vmem>>
      %dma_wait3A_94 = arith.constant 0 : i32
      %dma_wait3A_95 = arith.constant 0 : i32
      %dma_wait3A_96 = tpu.memref_slice %arg2[%arg0, %dma_wait3A_94, %dma_wait3A_95] : memref<2x10000x64xf32, #tpu.memory_space<hbm>> -> memref<1x10000x64xf32, #tpu.memory_space<hbm>>
      %dma_wait3A_97 = tpu.memref_squeeze %dma_wait3A_96 : memref<1x10000x64xf32, #tpu.memory_space<hbm>> -> memref<10000x64xf32, #tpu.memory_space<hbm>>
      %dma_wait3A_98 = arith.constant 0 : i32
      %dma_wait3A_99 = arith.constant 0 : i32
      %dma_wait3A_100 = tpu.memref_slice %dma_wait3A_97[%dma_wait3A_98, %dma_wait3A_99] : memref<10000x64xf32, #tpu.memory_space<hbm>> -> memref<10000x64xf32, #tpu.memory_space<hbm>>
      tpu.wait_indirect_dma semaphore(%arg16 : memref<!tpu.dma_semaphore, #tpu.memory_space<semaphore_mem>>) src(%dma_wait3A_100 : memref<10000x64xf32, #tpu.memory_space<hbm>>) dst(%dma_wait3A_90 : memref<128x64xf32, #tpu.memory_space<vmem>>)
      %add3A = arith.constant 0 : i32
      %add3A_101 = arith.addi %mul3A_73, %add3A : i32
      %dma_start3A_102 = arith.constant 0 : i32
      %dma_start3A_103 = arith.constant 0 : i32
      %dma_start3A_104 = tpu.memref_slice %arg11[%dma_start3A_102, %dma_start3A_103] : memref<256x64xf32, #tpu.memory_space<vmem>> -> memref<128x64xf32, #tpu.memory_space<vmem>>
      %dma_start3A_105 = arith.constant 0 : i32
      %dma_start3A_106 = tpu.memref_slice %arg10[%add3A_101, %dma_start3A_105] : memref<160x128xi32, #tpu.memory_space<vmem>> -> memref<1x128xi32, #tpu.memory_space<vmem>>
      %dma_start3A_107 = tpu.memref_squeeze %dma_start3A_106 : memref<1x128xi32, #tpu.memory_space<vmem>> -> memref<128xi32, #tpu.memory_space<vmem>>
      %dma_start3A_108 = arith.constant 0 : i32
      %dma_start3A_109 = arith.constant 0 : i32
      %dma_start3A_110 = tpu.memref_slice %arg14[%dma_start3A_108, %dma_start3A_109] : memref<10112x64xf32, #tpu.memory_space<vmem_shared>> -> memref<10112x64xf32, #tpu.memory_space<vmem_shared>>
      tpu.enqueue_indirect_dma source(%dma_start3A_104 : memref<128x64xf32, #tpu.memory_space<vmem>>) target(%dma_start3A_110 : memref<10112x64xf32, #tpu.memory_space<vmem_shared>>) offsets(%dma_start3A_107 : memref<128xi32, #tpu.memory_space<vmem>>) semaphore(%arg18 : memref<!tpu.dma_semaphore, #tpu.memory_space<semaphore_mem>>) {add = true}
      %add3A_111 = arith.constant 1 : i32
      %add3A_112 = arith.addi %mul3A_73, %add3A_111 : i32
      %dma_start3A_113 = arith.constant 128 : i32
      %dma_start3A_114 = arith.constant 0 : i32
      %dma_start3A_115 = tpu.memref_slice %arg11[%dma_start3A_113, %dma_start3A_114] : memref<256x64xf32, #tpu.memory_space<vmem>> -> memref<128x64xf32, #tpu.memory_space<vmem>>
      %dma_start3A_116 = arith.constant 0 : i32
      %dma_start3A_117 = tpu.memref_slice %arg10[%add3A_112, %dma_start3A_116] : memref<160x128xi32, #tpu.memory_space<vmem>> -> memref<1x128xi32, #tpu.memory_space<vmem>>
      %dma_start3A_118 = tpu.memref_squeeze %dma_start3A_117 : memref<1x128xi32, #tpu.memory_space<vmem>> -> memref<128xi32, #tpu.memory_space<vmem>>
      %dma_start3A_119 = arith.constant 0 : i32
      %dma_start3A_120 = arith.constant 0 : i32
      %dma_start3A_121 = tpu.memref_slice %arg14[%dma_start3A_119, %dma_start3A_120] : memref<10112x64xf32, #tpu.memory_space<vmem_shared>> -> memref<10112x64xf32, #tpu.memory_space<vmem_shared>>
      tpu.enqueue_indirect_dma source(%dma_start3A_115 : memref<128x64xf32, #tpu.memory_space<vmem>>) target(%dma_start3A_121 : memref<10112x64xf32, #tpu.memory_space<vmem_shared>>) offsets(%dma_start3A_118 : memref<128xi32, #tpu.memory_space<vmem>>) semaphore(%arg18 : memref<!tpu.dma_semaphore, #tpu.memory_space<semaphore_mem>>) {add = true}
      %eq3A = arith.constant 0 : i32
      %eq3A_122 = arith.cmpi eq, %arg0, %eq3A : i32
      %convert_element_type3A = arith.extui %eq3A_122 : i1 to i32
      %cond3A = arith.constant 0 : i32
      %cond3A_123 = arith.cmpi ne, %convert_element_type3A, %cond3A : i32
      scf.if %cond3A_123 {
        %add3A_234 = arith.constant 0 : i32
        %add3A_235 = arith.addi %mul3A_73, %add3A_234 : i32
        %dma_start3A_236 = arith.constant 0 : i32
        %dma_start3A_237 = tpu.memref_slice %arg10[%add3A_235, %dma_start3A_236] : memref<160x128xi32, #tpu.memory_space<vmem>> -> memref<1x128xi32, #tpu.memory_space<vmem>>
        %dma_start3A_238 = tpu.memref_squeeze %dma_start3A_237 : memref<1x128xi32, #tpu.memory_space<vmem>> -> memref<128xi32, #tpu.memory_space<vmem>>
        %dma_start3A_239 = arith.constant 0 : i32
        %dma_start3A_240 = arith.constant 0 : i32
        %dma_start3A_241 = tpu.memref_slice %arg15[%dma_start3A_239, %dma_start3A_240] : memref<10112x16xf32, #tpu.memory_space<vmem_shared>> -> memref<10112x16xf32, #tpu.memory_space<vmem_shared>>
        tpu.enqueue_indirect_dma source(%arg13 : memref<128x16xf32, #tpu.memory_space<vmem>>) target(%dma_start3A_241 : memref<10112x16xf32, #tpu.memory_space<vmem_shared>>) offsets(%dma_start3A_238 : memref<128xi32, #tpu.memory_space<vmem>>) semaphore(%arg19 : memref<!tpu.dma_semaphore, #tpu.memory_space<semaphore_mem>>) {add = true}
        %add3A_242 = arith.constant 1 : i32
        %add3A_243 = arith.addi %mul3A_73, %add3A_242 : i32
        %dma_start3A_244 = arith.constant 0 : i32
        %dma_start3A_245 = tpu.memref_slice %arg10[%add3A_243, %dma_start3A_244] : memref<160x128xi32, #tpu.memory_space<vmem>> -> memref<1x128xi32, #tpu.memory_space<vmem>>
        %dma_start3A_246 = tpu.memref_squeeze %dma_start3A_245 : memref<1x128xi32, #tpu.memory_space<vmem>> -> memref<128xi32, #tpu.memory_space<vmem>>
        %dma_start3A_247 = arith.constant 0 : i32
        %dma_start3A_248 = arith.constant 0 : i32
        %dma_start3A_249 = tpu.memref_slice %arg15[%dma_start3A_247, %dma_start3A_248] : memref<10112x16xf32, #tpu.memory_space<vmem_shared>> -> memref<10112x16xf32, #tpu.memory_space<vmem_shared>>
        tpu.enqueue_indirect_dma source(%arg13 : memref<128x16xf32, #tpu.memory_space<vmem>>) target(%dma_start3A_249 : memref<10112x16xf32, #tpu.memory_space<vmem_shared>>) offsets(%dma_start3A_246 : memref<128xi32, #tpu.memory_space<vmem>>) semaphore(%arg19 : memref<!tpu.dma_semaphore, #tpu.memory_space<semaphore_mem>>) {add = true}
        %dma_wait3A_250 = arith.constant 0 : i32
        %dma_wait3A_251 = arith.constant 0 : i32
        %dma_wait3A_252 = tpu.memref_slice %arg10[%dma_wait3A_250, %dma_wait3A_251] : memref<160x128xi32, #tpu.memory_space<vmem>> -> memref<1x128xi32, #tpu.memory_space<vmem>>
        %dma_wait3A_253 = tpu.memref_squeeze %dma_wait3A_252 : memref<1x128xi32, #tpu.memory_space<vmem>> -> memref<128xi32, #tpu.memory_space<vmem>>
        %dma_wait3A_254 = arith.constant 0 : i32
        %dma_wait3A_255 = arith.constant 0 : i32
        %dma_wait3A_256 = tpu.memref_slice %arg15[%dma_wait3A_254, %dma_wait3A_255] : memref<10112x16xf32, #tpu.memory_space<vmem_shared>> -> memref<10112x16xf32, #tpu.memory_space<vmem_shared>>
        tpu.wait_indirect_dma semaphore(%arg19 : memref<!tpu.dma_semaphore, #tpu.memory_space<semaphore_mem>>) src(%arg13 : memref<128x16xf32, #tpu.memory_space<vmem>>) dst(%dma_wait3A_256 : memref<10112x16xf32, #tpu.memory_space<vmem_shared>>)
        %dma_wait3A_257 = arith.constant 1 : i32
        %dma_wait3A_258 = arith.constant 0 : i32
        %dma_wait3A_259 = tpu.memref_slice %arg10[%dma_wait3A_257, %dma_wait3A_258] : memref<160x128xi32, #tpu.memory_space<vmem>> -> memref<1x128xi32, #tpu.memory_space<vmem>>
        %dma_wait3A_260 = tpu.memref_squeeze %dma_wait3A_259 : memref<1x128xi32, #tpu.memory_space<vmem>> -> memref<128xi32, #tpu.memory_space<vmem>>
        %dma_wait3A_261 = arith.constant 0 : i32
        %dma_wait3A_262 = arith.constant 0 : i32
        %dma_wait3A_263 = tpu.memref_slice %arg15[%dma_wait3A_261, %dma_wait3A_262] : memref<10112x16xf32, #tpu.memory_space<vmem_shared>> -> memref<10112x16xf32, #tpu.memory_space<vmem_shared>>
        tpu.wait_indirect_dma semaphore(%arg19 : memref<!tpu.dma_semaphore, #tpu.memory_space<semaphore_mem>>) src(%arg13 : memref<128x16xf32, #tpu.memory_space<vmem>>) dst(%dma_wait3A_263 : memref<10112x16xf32, #tpu.memory_space<vmem_shared>>)
      } else {
      }
      %dma_wait3A_124 = arith.constant 0 : i32
      %dma_wait3A_125 = arith.constant 0 : i32
      %dma_wait3A_126 = arith.constant 0 : i32
      %dma_wait3A_127 = tpu.memref_slice %arg11[%dma_wait3A_125, %dma_wait3A_126] : memref<256x64xf32, #tpu.memory_space<vmem>> -> memref<128x64xf32, #tpu.memory_space<vmem>>
      %dma_wait3A_128 = arith.constant 0 : i32
      %dma_wait3A_129 = tpu.memref_slice %arg10[%dma_wait3A_124, %dma_wait3A_128] : memref<160x128xi32, #tpu.memory_space<vmem>> -> memref<1x128xi32, #tpu.memory_space<vmem>>
      %dma_wait3A_130 = tpu.memref_squeeze %dma_wait3A_129 : memref<1x128xi32, #tpu.memory_space<vmem>> -> memref<128xi32, #tpu.memory_space<vmem>>
      %dma_wait3A_131 = arith.constant 0 : i32
      %dma_wait3A_132 = arith.constant 0 : i32
      %dma_wait3A_133 = tpu.memref_slice %arg14[%dma_wait3A_131, %dma_wait3A_132] : memref<10112x64xf32, #tpu.memory_space<vmem_shared>> -> memref<10112x64xf32, #tpu.memory_space<vmem_shared>>
      tpu.wait_indirect_dma semaphore(%arg18 : memref<!tpu.dma_semaphore, #tpu.memory_space<semaphore_mem>>) src(%dma_wait3A_127 : memref<128x64xf32, #tpu.memory_space<vmem>>) dst(%dma_wait3A_133 : memref<10112x64xf32, #tpu.memory_space<vmem_shared>>)
      %dma_wait3A_134 = arith.constant 1 : i32
      %dma_wait3A_135 = arith.constant 128 : i32
      %dma_wait3A_136 = arith.constant 0 : i32
      %dma_wait3A_137 = tpu.memref_slice %arg11[%dma_wait3A_135, %dma_wait3A_136] : memref<256x64xf32, #tpu.memory_space<vmem>> -> memref<128x64xf32, #tpu.memory_space<vmem>>
      %dma_wait3A_138 = arith.constant 0 : i32
      %dma_wait3A_139 = tpu.memref_slice %arg10[%dma_wait3A_134, %dma_wait3A_138] : memref<160x128xi32, #tpu.memory_space<vmem>> -> memref<1x128xi32, #tpu.memory_space<vmem>>
      %dma_wait3A_140 = tpu.memref_squeeze %dma_wait3A_139 : memref<1x128xi32, #tpu.memory_space<vmem>> -> memref<128xi32, #tpu.memory_space<vmem>>
      %dma_wait3A_141 = arith.constant 0 : i32
      %dma_wait3A_142 = arith.constant 0 : i32
      %dma_wait3A_143 = tpu.memref_slice %arg14[%dma_wait3A_141, %dma_wait3A_142] : memref<10112x64xf32, #tpu.memory_space<vmem_shared>> -> memref<10112x64xf32, #tpu.memory_space<vmem_shared>>
      tpu.wait_indirect_dma semaphore(%arg18 : memref<!tpu.dma_semaphore, #tpu.memory_space<semaphore_mem>>) src(%dma_wait3A_137 : memref<128x64xf32, #tpu.memory_space<vmem>>) dst(%dma_wait3A_143 : memref<10112x64xf32, #tpu.memory_space<vmem_shared>>)
      %add3A_144 = arith.constant 4 : i32
      %add3A_145 = arith.addi %mul3A_73, %add3A_144 : i32
      %lt3A = arith.constant 160 : i32
      %lt3A_146 = arith.cmpi slt, %add3A_145, %lt3A : i32
      %convert_element_type3A_147 = arith.extui %lt3A_146 : i1 to i32
      %cond3A_148 = arith.constant 0 : i32
      %cond3A_149 = arith.cmpi ne, %convert_element_type3A_147, %cond3A_148 : i32
      scf.if %cond3A_149 {
        %add3A_234 = arith.constant 4 : i32
        %add3A_235 = arith.addi %mul3A_73, %add3A_234 : i32
        %add3A_236 = arith.constant 0 : i32
        %add3A_237 = arith.addi %add3A_235, %add3A_236 : i32
        %dma_start3A_238 = arith.constant 0 : i32
        %dma_start3A_239 = arith.constant 0 : i32
        %dma_start3A_240 = tpu.memref_slice %arg11[%dma_start3A_238, %dma_start3A_239] : memref<256x64xf32, #tpu.memory_space<vmem>> -> memref<128x64xf32, #tpu.memory_space<vmem>>
        %dma_start3A_241 = arith.constant 0 : i32
        %dma_start3A_242 = tpu.memref_slice %arg9[%add3A_237, %dma_start3A_241] : memref<160x128xi32, #tpu.memory_space<vmem>> -> memref<1x128xi32, #tpu.memory_space<vmem>>
        %dma_start3A_243 = tpu.memref_squeeze %dma_start3A_242 : memref<1x128xi32, #tpu.memory_space<vmem>> -> memref<128xi32, #tpu.memory_space<vmem>>
        %dma_start3A_244 = arith.constant 0 : i32
        %dma_start3A_245 = arith.constant 0 : i32
        %dma_start3A_246 = tpu.memref_slice %arg2[%arg0, %dma_start3A_244, %dma_start3A_245] : memref<2x10000x64xf32, #tpu.memory_space<hbm>> -> memref<1x10000x64xf32, #tpu.memory_space<hbm>>
        %dma_start3A_247 = tpu.memref_squeeze %dma_start3A_246 : memref<1x10000x64xf32, #tpu.memory_space<hbm>> -> memref<10000x64xf32, #tpu.memory_space<hbm>>
        %dma_start3A_248 = arith.constant 0 : i32
        %dma_start3A_249 = arith.constant 0 : i32
        %dma_start3A_250 = tpu.memref_slice %dma_start3A_247[%dma_start3A_248, %dma_start3A_249] : memref<10000x64xf32, #tpu.memory_space<hbm>> -> memref<10000x64xf32, #tpu.memory_space<hbm>>
        tpu.enqueue_indirect_dma source(%dma_start3A_250 : memref<10000x64xf32, #tpu.memory_space<hbm>>) target(%dma_start3A_240 : memref<128x64xf32, #tpu.memory_space<vmem>>) offsets(%dma_start3A_243 : memref<128xi32, #tpu.memory_space<vmem>>) semaphore(%arg16 : memref<!tpu.dma_semaphore, #tpu.memory_space<semaphore_mem>>)
        %add3A_251 = arith.constant 1 : i32
        %add3A_252 = arith.addi %add3A_235, %add3A_251 : i32
        %dma_start3A_253 = arith.constant 128 : i32
        %dma_start3A_254 = arith.constant 0 : i32
        %dma_start3A_255 = tpu.memref_slice %arg11[%dma_start3A_253, %dma_start3A_254] : memref<256x64xf32, #tpu.memory_space<vmem>> -> memref<128x64xf32, #tpu.memory_space<vmem>>
        %dma_start3A_256 = arith.constant 0 : i32
        %dma_start3A_257 = tpu.memref_slice %arg9[%add3A_252, %dma_start3A_256] : memref<160x128xi32, #tpu.memory_space<vmem>> -> memref<1x128xi32, #tpu.memory_space<vmem>>
        %dma_start3A_258 = tpu.memref_squeeze %dma_start3A_257 : memref<1x128xi32, #tpu.memory_space<vmem>> -> memref<128xi32, #tpu.memory_space<vmem>>
        %dma_start3A_259 = arith.constant 0 : i32
        %dma_start3A_260 = arith.constant 0 : i32
        %dma_start3A_261 = tpu.memref_slice %arg2[%arg0, %dma_start3A_259, %dma_start3A_260] : memref<2x10000x64xf32, #tpu.memory_space<hbm>> -> memref<1x10000x64xf32, #tpu.memory_space<hbm>>
        %dma_start3A_262 = tpu.memref_squeeze %dma_start3A_261 : memref<1x10000x64xf32, #tpu.memory_space<hbm>> -> memref<10000x64xf32, #tpu.memory_space<hbm>>
        %dma_start3A_263 = arith.constant 0 : i32
        %dma_start3A_264 = arith.constant 0 : i32
        %dma_start3A_265 = tpu.memref_slice %dma_start3A_262[%dma_start3A_263, %dma_start3A_264] : memref<10000x64xf32, #tpu.memory_space<hbm>> -> memref<10000x64xf32, #tpu.memory_space<hbm>>
        tpu.enqueue_indirect_dma source(%dma_start3A_265 : memref<10000x64xf32, #tpu.memory_space<hbm>>) target(%dma_start3A_255 : memref<128x64xf32, #tpu.memory_space<vmem>>) offsets(%dma_start3A_258 : memref<128xi32, #tpu.memory_space<vmem>>) semaphore(%arg16 : memref<!tpu.dma_semaphore, #tpu.memory_space<semaphore_mem>>)
      } else {
      }
      %dma_wait3A_150 = arith.constant 0 : i32
      %dma_wait3A_151 = arith.constant 0 : i32
      %dma_wait3A_152 = arith.constant 0 : i32
      %dma_wait3A_153 = tpu.memref_slice %arg12[%dma_wait3A_151, %dma_wait3A_152] : memref<256x64xf32, #tpu.memory_space<vmem>> -> memref<128x64xf32, #tpu.memory_space<vmem>>
      %dma_wait3A_154 = arith.constant 0 : i32
      %dma_wait3A_155 = tpu.memref_slice %arg9[%dma_wait3A_150, %dma_wait3A_154] : memref<160x128xi32, #tpu.memory_space<vmem>> -> memref<1x128xi32, #tpu.memory_space<vmem>>
      %dma_wait3A_156 = tpu.memref_squeeze %dma_wait3A_155 : memref<1x128xi32, #tpu.memory_space<vmem>> -> memref<128xi32, #tpu.memory_space<vmem>>
      %dma_wait3A_157 = arith.constant 0 : i32
      %dma_wait3A_158 = arith.constant 0 : i32
      %dma_wait3A_159 = tpu.memref_slice %arg2[%arg0, %dma_wait3A_157, %dma_wait3A_158] : memref<2x10000x64xf32, #tpu.memory_space<hbm>> -> memref<1x10000x64xf32, #tpu.memory_space<hbm>>
      %dma_wait3A_160 = tpu.memref_squeeze %dma_wait3A_159 : memref<1x10000x64xf32, #tpu.memory_space<hbm>> -> memref<10000x64xf32, #tpu.memory_space<hbm>>
      %dma_wait3A_161 = arith.constant 0 : i32
      %dma_wait3A_162 = arith.constant 0 : i32
      %dma_wait3A_163 = tpu.memref_slice %dma_wait3A_160[%dma_wait3A_161, %dma_wait3A_162] : memref<10000x64xf32, #tpu.memory_space<hbm>> -> memref<10000x64xf32, #tpu.memory_space<hbm>>
      tpu.wait_indirect_dma semaphore(%arg17 : memref<!tpu.dma_semaphore, #tpu.memory_space<semaphore_mem>>) src(%dma_wait3A_163 : memref<10000x64xf32, #tpu.memory_space<hbm>>) dst(%dma_wait3A_153 : memref<128x64xf32, #tpu.memory_space<vmem>>)
      %dma_wait3A_164 = arith.constant 1 : i32
      %dma_wait3A_165 = arith.constant 128 : i32
      %dma_wait3A_166 = arith.constant 0 : i32
      %dma_wait3A_167 = tpu.memref_slice %arg12[%dma_wait3A_165, %dma_wait3A_166] : memref<256x64xf32, #tpu.memory_space<vmem>> -> memref<128x64xf32, #tpu.memory_space<vmem>>
      %dma_wait3A_168 = arith.constant 0 : i32
      %dma_wait3A_169 = tpu.memref_slice %arg9[%dma_wait3A_164, %dma_wait3A_168] : memref<160x128xi32, #tpu.memory_space<vmem>> -> memref<1x128xi32, #tpu.memory_space<vmem>>
      %dma_wait3A_170 = tpu.memref_squeeze %dma_wait3A_169 : memref<1x128xi32, #tpu.memory_space<vmem>> -> memref<128xi32, #tpu.memory_space<vmem>>
      %dma_wait3A_171 = arith.constant 0 : i32
      %dma_wait3A_172 = arith.constant 0 : i32
      %dma_wait3A_173 = tpu.memref_slice %arg2[%arg0, %dma_wait3A_171, %dma_wait3A_172] : memref<2x10000x64xf32, #tpu.memory_space<hbm>> -> memref<1x10000x64xf32, #tpu.memory_space<hbm>>
      %dma_wait3A_174 = tpu.memref_squeeze %dma_wait3A_173 : memref<1x10000x64xf32, #tpu.memory_space<hbm>> -> memref<10000x64xf32, #tpu.memory_space<hbm>>
      %dma_wait3A_175 = arith.constant 0 : i32
      %dma_wait3A_176 = arith.constant 0 : i32
      %dma_wait3A_177 = tpu.memref_slice %dma_wait3A_174[%dma_wait3A_175, %dma_wait3A_176] : memref<10000x64xf32, #tpu.memory_space<hbm>> -> memref<10000x64xf32, #tpu.memory_space<hbm>>
      tpu.wait_indirect_dma semaphore(%arg17 : memref<!tpu.dma_semaphore, #tpu.memory_space<semaphore_mem>>) src(%dma_wait3A_177 : memref<10000x64xf32, #tpu.memory_space<hbm>>) dst(%dma_wait3A_167 : memref<128x64xf32, #tpu.memory_space<vmem>>)
      %add3A_178 = arith.constant 2 : i32
      %add3A_179 = arith.addi %mul3A_73, %add3A_178 : i32
      %add3A_180 = arith.constant 0 : i32
      %add3A_181 = arith.addi %add3A_179, %add3A_180 : i32
      %dma_start3A_182 = arith.constant 0 : i32
      %dma_start3A_183 = arith.constant 0 : i32
      %dma_start3A_184 = tpu.memref_slice %arg12[%dma_start3A_182, %dma_start3A_183] : memref<256x64xf32, #tpu.memory_space<vmem>> -> memref<128x64xf32, #tpu.memory_space<vmem>>
      %dma_start3A_185 = arith.constant 0 : i32
      %dma_start3A_186 = tpu.memref_slice %arg10[%add3A_181, %dma_start3A_185] : memref<160x128xi32, #tpu.memory_space<vmem>> -> memref<1x128xi32, #tpu.memory_space<vmem>>
      %dma_start3A_187 = tpu.memref_squeeze %dma_start3A_186 : memref<1x128xi32, #tpu.memory_space<vmem>> -> memref<128xi32, #tpu.memory_space<vmem>>
      %dma_start3A_188 = arith.constant 0 : i32
      %dma_start3A_189 = arith.constant 0 : i32
      %dma_start3A_190 = tpu.memref_slice %arg14[%dma_start3A_188, %dma_start3A_189] : memref<10112x64xf32, #tpu.memory_space<vmem_shared>> -> memref<10112x64xf32, #tpu.memory_space<vmem_shared>>
      tpu.enqueue_indirect_dma source(%dma_start3A_184 : memref<128x64xf32, #tpu.memory_space<vmem>>) target(%dma_start3A_190 : memref<10112x64xf32, #tpu.memory_space<vmem_shared>>) offsets(%dma_start3A_187 : memref<128xi32, #tpu.memory_space<vmem>>) semaphore(%arg18 : memref<!tpu.dma_semaphore, #tpu.memory_space<semaphore_mem>>) {add = true}
      %add3A_191 = arith.constant 1 : i32
      %add3A_192 = arith.addi %add3A_179, %add3A_191 : i32
      %dma_start3A_193 = arith.constant 128 : i32
      %dma_start3A_194 = arith.constant 0 : i32
      %dma_start3A_195 = tpu.memref_slice %arg12[%dma_start3A_193, %dma_start3A_194] : memref<256x64xf32, #tpu.memory_space<vmem>> -> memref<128x64xf32, #tpu.memory_space<vmem>>
      %dma_start3A_196 = arith.constant 0 : i32
      %dma_start3A_197 = tpu.memref_slice %arg10[%add3A_192, %dma_start3A_196] : memref<160x128xi32, #tpu.memory_space<vmem>> -> memref<1x128xi32, #tpu.memory_space<vmem>>
      %dma_start3A_198 = tpu.memref_squeeze %dma_start3A_197 : memref<1x128xi32, #tpu.memory_space<vmem>> -> memref<128xi32, #tpu.memory_space<vmem>>
      %dma_start3A_199 = arith.constant 0 : i32
      %dma_start3A_200 = arith.constant 0 : i32
      %dma_start3A_201 = tpu.memref_slice %arg14[%dma_start3A_199, %dma_start3A_200] : memref<10112x64xf32, #tpu.memory_space<vmem_shared>> -> memref<10112x64xf32, #tpu.memory_space<vmem_shared>>
      tpu.enqueue_indirect_dma source(%dma_start3A_195 : memref<128x64xf32, #tpu.memory_space<vmem>>) target(%dma_start3A_201 : memref<10112x64xf32, #tpu.memory_space<vmem_shared>>) offsets(%dma_start3A_198 : memref<128xi32, #tpu.memory_space<vmem>>) semaphore(%arg18 : memref<!tpu.dma_semaphore, #tpu.memory_space<semaphore_mem>>) {add = true}
      %eq3A_202 = arith.constant 1 : i32
      %eq3A_203 = arith.cmpi eq, %arg0, %eq3A_202 : i32
      %convert_element_type3A_204 = arith.extui %eq3A_203 : i1 to i32
      %cond3A_205 = arith.constant 0 : i32
      %cond3A_206 = arith.cmpi ne, %convert_element_type3A_204, %cond3A_205 : i32
      scf.if %cond3A_206 {
        %add3A_234 = arith.constant 0 : i32
        %add3A_235 = arith.addi %add3A_179, %add3A_234 : i32
        %dma_start3A_236 = arith.constant 0 : i32
        %dma_start3A_237 = tpu.memref_slice %arg10[%add3A_235, %dma_start3A_236] : memref<160x128xi32, #tpu.memory_space<vmem>> -> memref<1x128xi32, #tpu.memory_space<vmem>>
        %dma_start3A_238 = tpu.memref_squeeze %dma_start3A_237 : memref<1x128xi32, #tpu.memory_space<vmem>> -> memref<128xi32, #tpu.memory_space<vmem>>
        %dma_start3A_239 = arith.constant 0 : i32
        %dma_start3A_240 = arith.constant 0 : i32
        %dma_start3A_241 = tpu.memref_slice %arg15[%dma_start3A_239, %dma_start3A_240] : memref<10112x16xf32, #tpu.memory_space<vmem_shared>> -> memref<10112x16xf32, #tpu.memory_space<vmem_shared>>
        tpu.enqueue_indirect_dma source(%arg13 : memref<128x16xf32, #tpu.memory_space<vmem>>) target(%dma_start3A_241 : memref<10112x16xf32, #tpu.memory_space<vmem_shared>>) offsets(%dma_start3A_238 : memref<128xi32, #tpu.memory_space<vmem>>) semaphore(%arg19 : memref<!tpu.dma_semaphore, #tpu.memory_space<semaphore_mem>>) {add = true}
        %add3A_242 = arith.constant 1 : i32
        %add3A_243 = arith.addi %add3A_179, %add3A_242 : i32
        %dma_start3A_244 = arith.constant 0 : i32
        %dma_start3A_245 = tpu.memref_slice %arg10[%add3A_243, %dma_start3A_244] : memref<160x128xi32, #tpu.memory_space<vmem>> -> memref<1x128xi32, #tpu.memory_space<vmem>>
        %dma_start3A_246 = tpu.memref_squeeze %dma_start3A_245 : memref<1x128xi32, #tpu.memory_space<vmem>> -> memref<128xi32, #tpu.memory_space<vmem>>
        %dma_start3A_247 = arith.constant 0 : i32
        %dma_start3A_248 = arith.constant 0 : i32
        %dma_start3A_249 = tpu.memref_slice %arg15[%dma_start3A_247, %dma_start3A_248] : memref<10112x16xf32, #tpu.memory_space<vmem_shared>> -> memref<10112x16xf32, #tpu.memory_space<vmem_shared>>
        tpu.enqueue_indirect_dma source(%arg13 : memref<128x16xf32, #tpu.memory_space<vmem>>) target(%dma_start3A_249 : memref<10112x16xf32, #tpu.memory_space<vmem_shared>>) offsets(%dma_start3A_246 : memref<128xi32, #tpu.memory_space<vmem>>) semaphore(%arg19 : memref<!tpu.dma_semaphore, #tpu.memory_space<semaphore_mem>>) {add = true}
        %dma_wait3A_250 = arith.constant 0 : i32
        %dma_wait3A_251 = arith.constant 0 : i32
        %dma_wait3A_252 = tpu.memref_slice %arg10[%dma_wait3A_250, %dma_wait3A_251] : memref<160x128xi32, #tpu.memory_space<vmem>> -> memref<1x128xi32, #tpu.memory_space<vmem>>
        %dma_wait3A_253 = tpu.memref_squeeze %dma_wait3A_252 : memref<1x128xi32, #tpu.memory_space<vmem>> -> memref<128xi32, #tpu.memory_space<vmem>>
        %dma_wait3A_254 = arith.constant 0 : i32
        %dma_wait3A_255 = arith.constant 0 : i32
        %dma_wait3A_256 = tpu.memref_slice %arg15[%dma_wait3A_254, %dma_wait3A_255] : memref<10112x16xf32, #tpu.memory_space<vmem_shared>> -> memref<10112x16xf32, #tpu.memory_space<vmem_shared>>
        tpu.wait_indirect_dma semaphore(%arg19 : memref<!tpu.dma_semaphore, #tpu.memory_space<semaphore_mem>>) src(%arg13 : memref<128x16xf32, #tpu.memory_space<vmem>>) dst(%dma_wait3A_256 : memref<10112x16xf32, #tpu.memory_space<vmem_shared>>)
        %dma_wait3A_257 = arith.constant 1 : i32
        %dma_wait3A_258 = arith.constant 0 : i32
        %dma_wait3A_259 = tpu.memref_slice %arg10[%dma_wait3A_257, %dma_wait3A_258] : memref<160x128xi32, #tpu.memory_space<vmem>> -> memref<1x128xi32, #tpu.memory_space<vmem>>
        %dma_wait3A_260 = tpu.memref_squeeze %dma_wait3A_259 : memref<1x128xi32, #tpu.memory_space<vmem>> -> memref<128xi32, #tpu.memory_space<vmem>>
        %dma_wait3A_261 = arith.constant 0 : i32
        %dma_wait3A_262 = arith.constant 0 : i32
        %dma_wait3A_263 = tpu.memref_slice %arg15[%dma_wait3A_261, %dma_wait3A_262] : memref<10112x16xf32, #tpu.memory_space<vmem_shared>> -> memref<10112x16xf32, #tpu.memory_space<vmem_shared>>
        tpu.wait_indirect_dma semaphore(%arg19 : memref<!tpu.dma_semaphore, #tpu.memory_space<semaphore_mem>>) src(%arg13 : memref<128x16xf32, #tpu.memory_space<vmem>>) dst(%dma_wait3A_263 : memref<10112x16xf32, #tpu.memory_space<vmem_shared>>)
      } else {
      }
      %dma_wait3A_207 = arith.constant 0 : i32
      %dma_wait3A_208 = arith.constant 0 : i32
      %dma_wait3A_209 = arith.constant 0 : i32
      %dma_wait3A_210 = tpu.memref_slice %arg12[%dma_wait3A_208, %dma_wait3A_209] : memref<256x64xf32, #tpu.memory_space<vmem>> -> memref<128x64xf32, #tpu.memory_space<vmem>>
      %dma_wait3A_211 = arith.constant 0 : i32
      %dma_wait3A_212 = tpu.memref_slice %arg10[%dma_wait3A_207, %dma_wait3A_211] : memref<160x128xi32, #tpu.memory_space<vmem>> -> memref<1x128xi32, #tpu.memory_space<vmem>>
      %dma_wait3A_213 = tpu.memref_squeeze %dma_wait3A_212 : memref<1x128xi32, #tpu.memory_space<vmem>> -> memref<128xi32, #tpu.memory_space<vmem>>
      %dma_wait3A_214 = arith.constant 0 : i32
      %dma_wait3A_215 = arith.constant 0 : i32
      %dma_wait3A_216 = tpu.memref_slice %arg14[%dma_wait3A_214, %dma_wait3A_215] : memref<10112x64xf32, #tpu.memory_space<vmem_shared>> -> memref<10112x64xf32, #tpu.memory_space<vmem_shared>>
      tpu.wait_indirect_dma semaphore(%arg18 : memref<!tpu.dma_semaphore, #tpu.memory_space<semaphore_mem>>) src(%dma_wait3A_210 : memref<128x64xf32, #tpu.memory_space<vmem>>) dst(%dma_wait3A_216 : memref<10112x64xf32, #tpu.memory_space<vmem_shared>>)
      %dma_wait3A_217 = arith.constant 1 : i32
      %dma_wait3A_218 = arith.constant 128 : i32
      %dma_wait3A_219 = arith.constant 0 : i32
      %dma_wait3A_220 = tpu.memref_slice %arg12[%dma_wait3A_218, %dma_wait3A_219] : memref<256x64xf32, #tpu.memory_space<vmem>> -> memref<128x64xf32, #tpu.memory_space<vmem>>
      %dma_wait3A_221 = arith.constant 0 : i32
      %dma_wait3A_222 = tpu.memref_slice %arg10[%dma_wait3A_217, %dma_wait3A_221] : memref<160x128xi32, #tpu.memory_space<vmem>> -> memref<1x128xi32, #tpu.memory_space<vmem>>
      %dma_wait3A_223 = tpu.memref_squeeze %dma_wait3A_222 : memref<1x128xi32, #tpu.memory_space<vmem>> -> memref<128xi32, #tpu.memory_space<vmem>>
      %dma_wait3A_224 = arith.constant 0 : i32
      %dma_wait3A_225 = arith.constant 0 : i32
      %dma_wait3A_226 = tpu.memref_slice %arg14[%dma_wait3A_224, %dma_wait3A_225] : memref<10112x64xf32, #tpu.memory_space<vmem_shared>> -> memref<10112x64xf32, #tpu.memory_space<vmem_shared>>
      tpu.wait_indirect_dma semaphore(%arg18 : memref<!tpu.dma_semaphore, #tpu.memory_space<semaphore_mem>>) src(%dma_wait3A_220 : memref<128x64xf32, #tpu.memory_space<vmem>>) dst(%dma_wait3A_226 : memref<10112x64xf32, #tpu.memory_space<vmem_shared>>)
      %add3A_227 = arith.constant 6 : i32
      %add3A_228 = arith.addi %mul3A_73, %add3A_227 : i32
      %lt3A_229 = arith.constant 160 : i32
      %lt3A_230 = arith.cmpi slt, %add3A_228, %lt3A_229 : i32
      %convert_element_type3A_231 = arith.extui %lt3A_230 : i1 to i32
      %cond3A_232 = arith.constant 0 : i32
      %cond3A_233 = arith.cmpi ne, %convert_element_type3A_231, %cond3A_232 : i32
      scf.if %cond3A_233 {
        %add3A_234 = arith.constant 6 : i32
        %add3A_235 = arith.addi %mul3A_73, %add3A_234 : i32
        %add3A_236 = arith.constant 0 : i32
        %add3A_237 = arith.addi %add3A_235, %add3A_236 : i32
        %dma_start3A_238 = arith.constant 0 : i32
        %dma_start3A_239 = arith.constant 0 : i32
        %dma_start3A_240 = tpu.memref_slice %arg12[%dma_start3A_238, %dma_start3A_239] : memref<256x64xf32, #tpu.memory_space<vmem>> -> memref<128x64xf32, #tpu.memory_space<vmem>>
        %dma_start3A_241 = arith.constant 0 : i32
        %dma_start3A_242 = tpu.memref_slice %arg9[%add3A_237, %dma_start3A_241] : memref<160x128xi32, #tpu.memory_space<vmem>> -> memref<1x128xi32, #tpu.memory_space<vmem>>
        %dma_start3A_243 = tpu.memref_squeeze %dma_start3A_242 : memref<1x128xi32, #tpu.memory_space<vmem>> -> memref<128xi32, #tpu.memory_space<vmem>>
        %dma_start3A_244 = arith.constant 0 : i32
        %dma_start3A_245 = arith.constant 0 : i32
        %dma_start3A_246 = tpu.memref_slice %arg2[%arg0, %dma_start3A_244, %dma_start3A_245] : memref<2x10000x64xf32, #tpu.memory_space<hbm>> -> memref<1x10000x64xf32, #tpu.memory_space<hbm>>
        %dma_start3A_247 = tpu.memref_squeeze %dma_start3A_246 : memref<1x10000x64xf32, #tpu.memory_space<hbm>> -> memref<10000x64xf32, #tpu.memory_space<hbm>>
        %dma_start3A_248 = arith.constant 0 : i32
        %dma_start3A_249 = arith.constant 0 : i32
        %dma_start3A_250 = tpu.memref_slice %dma_start3A_247[%dma_start3A_248, %dma_start3A_249] : memref<10000x64xf32, #tpu.memory_space<hbm>> -> memref<10000x64xf32, #tpu.memory_space<hbm>>
        tpu.enqueue_indirect_dma source(%dma_start3A_250 : memref<10000x64xf32, #tpu.memory_space<hbm>>) target(%dma_start3A_240 : memref<128x64xf32, #tpu.memory_space<vmem>>) offsets(%dma_start3A_243 : memref<128xi32, #tpu.memory_space<vmem>>) semaphore(%arg17 : memref<!tpu.dma_semaphore, #tpu.memory_space<semaphore_mem>>)
        %add3A_251 = arith.constant 1 : i32
        %add3A_252 = arith.addi %add3A_235, %add3A_251 : i32
        %dma_start3A_253 = arith.constant 128 : i32
        %dma_start3A_254 = arith.constant 0 : i32
        %dma_start3A_255 = tpu.memref_slice %arg12[%dma_start3A_253, %dma_start3A_254] : memref<256x64xf32, #tpu.memory_space<vmem>> -> memref<128x64xf32, #tpu.memory_space<vmem>>
        %dma_start3A_256 = arith.constant 0 : i32
        %dma_start3A_257 = tpu.memref_slice %arg9[%add3A_252, %dma_start3A_256] : memref<160x128xi32, #tpu.memory_space<vmem>> -> memref<1x128xi32, #tpu.memory_space<vmem>>
        %dma_start3A_258 = tpu.memref_squeeze %dma_start3A_257 : memref<1x128xi32, #tpu.memory_space<vmem>> -> memref<128xi32, #tpu.memory_space<vmem>>
        %dma_start3A_259 = arith.constant 0 : i32
        %dma_start3A_260 = arith.constant 0 : i32
        %dma_start3A_261 = tpu.memref_slice %arg2[%arg0, %dma_start3A_259, %dma_start3A_260] : memref<2x10000x64xf32, #tpu.memory_space<hbm>> -> memref<1x10000x64xf32, #tpu.memory_space<hbm>>
        %dma_start3A_262 = tpu.memref_squeeze %dma_start3A_261 : memref<1x10000x64xf32, #tpu.memory_space<hbm>> -> memref<10000x64xf32, #tpu.memory_space<hbm>>
        %dma_start3A_263 = arith.constant 0 : i32
        %dma_start3A_264 = arith.constant 0 : i32
        %dma_start3A_265 = tpu.memref_slice %dma_start3A_262[%dma_start3A_263, %dma_start3A_264] : memref<10000x64xf32, #tpu.memory_space<hbm>> -> memref<10000x64xf32, #tpu.memory_space<hbm>>
        tpu.enqueue_indirect_dma source(%dma_start3A_265 : memref<10000x64xf32, #tpu.memory_space<hbm>>) target(%dma_start3A_255 : memref<128x64xf32, #tpu.memory_space<vmem>>) offsets(%dma_start3A_258 : memref<128xi32, #tpu.memory_space<vmem>>) semaphore(%arg17 : memref<!tpu.dma_semaphore, #tpu.memory_space<semaphore_mem>>)
      } else {
      }
    }
    %scan3A_65 = arith.constant 40 : i32
    %barrier3A_66 = arith.constant 0 : index
    tpu.barrier barrier_id(%barrier3A_66)
    %mul3A_67 = arith.constant 632 : i32
    %mul3A_68 = arith.muli %arg1, %mul3A_67 : i32
    "tpu.region"() ({
      %run_scoped3A_69 = tpu.sem_alloc : memref<!tpu.dma_semaphore, #tpu.memory_space<semaphore_mem>>
      %dma_start3A_70 = arith.constant 0 : i32
      %dma_start3A_71 = tpu.memref_slice %arg7[%arg0, %mul3A_68, %dma_start3A_70] : memref<2x10112x64xf32, #tpu.memory_space<hbm>> -> memref<1x632x64xf32, #tpu.memory_space<hbm>>
      %dma_start3A_72 = tpu.memref_squeeze %dma_start3A_71 : memref<1x632x64xf32, #tpu.memory_space<hbm>> -> memref<632x64xf32, #tpu.memory_space<hbm>>
      %dma_start3A_73 = arith.constant 0 : i32
      %dma_start3A_74 = tpu.memref_slice %arg14[%mul3A_68, %dma_start3A_73] : memref<10112x64xf32, #tpu.memory_space<vmem_shared>> -> memref<632x64xf32, #tpu.memory_space<vmem_shared>>
      tpu.enqueue_dma source(%dma_start3A_74 : memref<632x64xf32, #tpu.memory_space<vmem_shared>>) target(%dma_start3A_72 : memref<632x64xf32, #tpu.memory_space<hbm>>) target_semaphore(%run_scoped3A_69 : memref<!tpu.dma_semaphore, #tpu.memory_space<semaphore_mem>>)
      %dma_wait3A = arith.constant 0 : i32
      %dma_wait3A_75 = tpu.memref_slice %arg7[%arg0, %mul3A_68, %dma_wait3A] : memref<2x10112x64xf32, #tpu.memory_space<hbm>> -> memref<1x632x64xf32, #tpu.memory_space<hbm>>
      %dma_wait3A_76 = tpu.memref_squeeze %dma_wait3A_75 : memref<1x632x64xf32, #tpu.memory_space<hbm>> -> memref<632x64xf32, #tpu.memory_space<hbm>>
      %dma_wait3A_77 = arith.constant 0 : i32
      %dma_wait3A_78 = tpu.memref_slice %arg14[%mul3A_68, %dma_wait3A_77] : memref<10112x64xf32, #tpu.memory_space<vmem_shared>> -> memref<632x64xf32, #tpu.memory_space<vmem_shared>>
      tpu.wait_dma2 semaphore(%run_scoped3A_69 : memref<!tpu.dma_semaphore, #tpu.memory_space<semaphore_mem>>) src(%dma_wait3A_78 : memref<632x64xf32, #tpu.memory_space<vmem_shared>>) dst(%dma_wait3A_76 : memref<632x64xf32, #tpu.memory_space<hbm>>)
      tpu.yield
    }) : () -> ()
    "tpu.region"() ({
      %run_scoped3A_69 = tpu.sem_alloc : memref<!tpu.dma_semaphore, #tpu.memory_space<semaphore_mem>>
      %dma_start3A_70 = arith.constant 0 : i32
      %dma_start3A_71 = tpu.memref_slice %arg8[%arg0, %mul3A_68, %dma_start3A_70] : memref<2x10112x16xf32, #tpu.memory_space<hbm>> -> memref<1x632x16xf32, #tpu.memory_space<hbm>>
      %dma_start3A_72 = tpu.memref_squeeze %dma_start3A_71 : memref<1x632x16xf32, #tpu.memory_space<hbm>> -> memref<632x16xf32, #tpu.memory_space<hbm>>
      %dma_start3A_73 = arith.constant 0 : i32
      %dma_start3A_74 = tpu.memref_slice %arg15[%mul3A_68, %dma_start3A_73] : memref<10112x16xf32, #tpu.memory_space<vmem_shared>> -> memref<632x16xf32, #tpu.memory_space<vmem_shared>>
      tpu.enqueue_dma source(%dma_start3A_74 : memref<632x16xf32, #tpu.memory_space<vmem_shared>>) target(%dma_start3A_72 : memref<632x16xf32, #tpu.memory_space<hbm>>) target_semaphore(%run_scoped3A_69 : memref<!tpu.dma_semaphore, #tpu.memory_space<semaphore_mem>>)
      %dma_wait3A = arith.constant 0 : i32
      %dma_wait3A_75 = tpu.memref_slice %arg8[%arg0, %mul3A_68, %dma_wait3A] : memref<2x10112x16xf32, #tpu.memory_space<hbm>> -> memref<1x632x16xf32, #tpu.memory_space<hbm>>
      %dma_wait3A_76 = tpu.memref_squeeze %dma_wait3A_75 : memref<1x632x16xf32, #tpu.memory_space<hbm>> -> memref<632x16xf32, #tpu.memory_space<hbm>>
      %dma_wait3A_77 = arith.constant 0 : i32
      %dma_wait3A_78 = tpu.memref_slice %arg15[%mul3A_68, %dma_wait3A_77] : memref<10112x16xf32, #tpu.memory_space<vmem_shared>> -> memref<632x16xf32, #tpu.memory_space<vmem_shared>>
      tpu.wait_dma2 semaphore(%run_scoped3A_69 : memref<!tpu.dma_semaphore, #tpu.memory_space<semaphore_mem>>) src(%dma_wait3A_78 : memref<632x16xf32, #tpu.memory_space<vmem_shared>>) dst(%dma_wait3A_76 : memref<632x16xf32, #tpu.memory_space<hbm>>)
      tpu.yield
    }) : () -> ()
    return
  }
}

module attributes {stable_mosaic.version = 14 : i64} {
  func.func @_tca_body(%arg0: i32, %arg1: memref<1000x128xf32, #tpu.memory_space<vmem>>, %arg2: memref<128x1024xf32, #tpu.memory_space<vmem>>, %arg3: memref<1x1024xf32, #tpu.memory_space<vmem>>, %arg4: memref<1000x1024xf32, #tpu.memory_space<vmem>>) attributes {dimension_semantics = [#tpu.dimension_semantics<arbitrary>], iteration_bounds = array<i64: 10>, scalar_prefetch = 0 : i64, scratch_operands = 0 : i64, tpu.core_type = #tpu.core_type<tc>, window_params = [{transform_indices = @transform_0, window_bounds = array<i64: 1000, 128>}, {pipeline_mode = #tpu.pipeline_mode<synchronous>, transform_indices = @transform_1, window_bounds = array<i64: 128, 1024>}, {pipeline_mode = #tpu.pipeline_mode<synchronous>, transform_indices = @transform_2, window_bounds = array<i64: 1, 1024>}, {transform_indices = @transform_3, window_bounds = array<i64: 1000, 1024>}]} {
    %get3A = arith.constant 0 : index
    %get3A_0 = arith.constant 0 : index
    %get3A_1 = vector.load %arg1[%get3A, %get3A_0] : memref<1000x128xf32, #tpu.memory_space<vmem>>, vector<1000x128xf32>
    %get3A_2 = arith.constant 0 : index
    %get3A_3 = arith.constant 0 : index
    %get3A_4 = vector.load %arg2[%get3A_2, %get3A_3] : memref<128x1024xf32, #tpu.memory_space<vmem>>, vector<128x1024xf32>
    %dot_general3A = arith.constant dense<0.000000e+00> : vector<1000x1024xf32>
    %dot_general3A_5 = tpu.matmul %get3A_1, %get3A_4, %dot_general3A {dimension_numbers = #tpu.dot_dimension_numbers<[1], [0], [0], [1], [0, 0, 1, 1], [], []>, transpose_lhs_hint = false} : vector<1000x128xf32>, vector<128x1024xf32>, vector<1000x1024xf32> -> vector<1000x1024xf32>
    %get3A_6 = arith.constant 0 : index
    %get3A_7 = arith.constant 0 : index
    %get3A_8 = vector.load %arg3[%get3A_6, %get3A_7] : memref<1x1024xf32, #tpu.memory_space<vmem>>, vector<1x1024xf32>
    %add3A = vector.broadcast %get3A_8 : vector<1x1024xf32> to vector<1000x1024xf32>
    %add3A_9 = arith.addf %dot_general3A_5, %add3A : vector<1000x1024xf32>
    %swap3A = arith.constant 0 : index
    %swap3A_10 = arith.constant 0 : index
    %swap3A_11 = vector.load %arg4[%swap3A, %swap3A_10] : memref<1000x1024xf32, #tpu.memory_space<vmem>>, vector<1000x1024xf32>
    tpu.vector_store %arg4[%swap3A, %swap3A_10], %add3A_9 {strides = array<i32>} : memref<1000x1024xf32, #tpu.memory_space<vmem>>, vector<1000x1024xf32>,
    return
  }
  func.func @transform_0(%arg0: i32) -> (i32, i32) {
    %c0_i32 = arith.constant 0 : i32
    %c0_i32_0 = arith.constant 0 : i32
    return %arg0, %c0_i32 : i32, i32
  }
  func.func @transform_1(%arg0: i32) -> (i32, i32) {
    %c0_i32 = arith.constant 0 : i32
    %c0_i32_0 = arith.constant 0 : i32
    %c0_i32_1 = arith.constant 0 : i32
    return %c0_i32, %c0_i32_0 : i32, i32
  }
  func.func @transform_2(%arg0: i32) -> (i32, i32) {
    %c0_i32 = arith.constant 0 : i32
    %c0_i32_0 = arith.constant 0 : i32
    %c0_i32_1 = arith.constant 0 : i32
    return %c0_i32, %c0_i32_0 : i32, i32
  }
  func.func @transform_3(%arg0: i32) -> (i32, i32) {
    %c0_i32 = arith.constant 0 : i32
    %c0_i32_0 = arith.constant 0 : i32
    return %arg0, %c0_i32 : i32, i32
  }
}

module attributes {stable_mosaic.version = 14 : i64} {
  func.func @_tc1_body(%arg0: i32, %arg1: memref<2x1000x64xf32, #tpu.memory_space<vmem>>, %arg2: memref<2x1000x16xf32, #tpu.memory_space<vmem>>, %arg3: memref<1000x1024xf32, #tpu.memory_space<vmem>>, %arg4: memref<128x1024xf32, #tpu.memory_space<vmem>>, %arg5: memref<1000x1024xf32, #tpu.memory_space<vmem>>) attributes {dimension_semantics = [#tpu.dimension_semantics<arbitrary>], iteration_bounds = array<i64: 10>, scalar_prefetch = 0 : i64, scratch_operands = 0 : i64, tpu.core_type = #tpu.core_type<tc>, window_params = [{transform_indices = @transform_0, window_bounds = array<i64: 2, 1000, 64>}, {transform_indices = @transform_1, window_bounds = array<i64: 2, 1000, 16>}, {transform_indices = @transform_2, window_bounds = array<i64: 1000, 1024>}, {pipeline_mode = #tpu.pipeline_mode<synchronous>, transform_indices = @transform_3, window_bounds = array<i64: 128, 1024>}, {transform_indices = @transform_4, window_bounds = array<i64: 1000, 1024>}]} {
    %get3A = arith.constant 0 : index
    %get3A_0 = arith.constant 0 : index
    %get3A_1 = arith.constant 0 : index
    %get3A_2 = vector.load %arg1[%get3A, %get3A_0, %get3A_1] : memref<2x1000x64xf32, #tpu.memory_space<vmem>>, vector<1x1000x64xf32>
    %get3A_3 = vector.shape_cast %get3A_2 : vector<1x1000x64xf32> to vector<1000x64xf32>
    %get3A_4 = arith.constant 1 : index
    %get3A_5 = arith.constant 0 : index
    %get3A_6 = arith.constant 0 : index
    %get3A_7 = vector.load %arg1[%get3A_4, %get3A_5, %get3A_6] : memref<2x1000x64xf32, #tpu.memory_space<vmem>>, vector<1x1000x64xf32>
    %get3A_8 = vector.shape_cast %get3A_7 : vector<1x1000x64xf32> to vector<1000x64xf32>
    %concatenate3A = tpu.concatenate %get3A_3, %get3A_8 in 1 : vector<1000x64xf32>, vector<1000x64xf32> -> vector<1000x128xf32>
    %get3A_9 = arith.constant 0 : index
    %get3A_10 = arith.constant 0 : index
    %get3A_11 = arith.constant 0 : index
    %get3A_12 = vector.load %arg2[%get3A_9, %get3A_10, %get3A_11] : memref<2x1000x16xf32, #tpu.memory_space<vmem>>, vector<1x1000x1xf32>
    %get3A_13 = vector.shape_cast %get3A_12 : vector<1x1000x1xf32> to vector<1000x1xf32>
    %get3A_14 = arith.constant 1 : index
    %get3A_15 = arith.constant 0 : index
    %get3A_16 = arith.constant 0 : index
    %get3A_17 = vector.load %arg2[%get3A_14, %get3A_15, %get3A_16] : memref<2x1000x16xf32, #tpu.memory_space<vmem>>, vector<1x1000x1xf32>
    %get3A_18 = vector.shape_cast %get3A_17 : vector<1x1000x1xf32> to vector<1000x1xf32>
    %add3A = arith.addf %get3A_13, %get3A_18 : vector<1000x1xf32>
    %max3A = arith.constant 1.000000e+00 : f32
    %max3A_19 = vector.broadcast %max3A : f32 to vector<1000x1xf32>
    %max3A_20 = arith.maximumf %add3A, %max3A_19 : vector<1000x1xf32>
    %div3A = vector.broadcast %max3A_20 : vector<1000x1xf32> to vector<1000x128xf32>
    %div3A_21 = arith.divf %concatenate3A, %div3A : vector<1000x128xf32>
    %get3A_22 = arith.constant 0 : index
    %get3A_23 = arith.constant 0 : index
    %get3A_24 = vector.load %arg4[%get3A_22, %get3A_23] : memref<128x1024xf32, #tpu.memory_space<vmem>>, vector<128x1024xf32>
    %dot_general3A = arith.constant dense<0.000000e+00> : vector<1000x1024xf32>
    %dot_general3A_25 = tpu.matmul %div3A_21, %get3A_24, %dot_general3A {dimension_numbers = #tpu.dot_dimension_numbers<[1], [0], [0], [1], [0, 0, 1, 1], [], []>, transpose_lhs_hint = false} : vector<1000x128xf32>, vector<128x1024xf32>, vector<1000x1024xf32> -> vector<1000x1024xf32>
    %get3A_26 = arith.constant 0 : index
    %get3A_27 = arith.constant 0 : index
    %get3A_28 = vector.load %arg3[%get3A_26, %get3A_27] : memref<1000x1024xf32, #tpu.memory_space<vmem>>, vector<1000x1024xf32>
    %add3A_29 = arith.addf %dot_general3A_25, %get3A_28 : vector<1000x1024xf32>
    %max3A_30 = arith.constant 0.000000e+00 : f32
    %max3A_31 = vector.broadcast %max3A_30 : f32 to vector<1000x1024xf32>
    %max3A_32 = arith.maximumf %add3A_29, %max3A_31 : vector<1000x1024xf32>
    %swap3A = arith.constant 0 : index
    %swap3A_33 = arith.constant 0 : index
    %swap3A_34 = vector.load %arg5[%swap3A, %swap3A_33] : memref<1000x1024xf32, #tpu.memory_space<vmem>>, vector<1000x1024xf32>
    tpu.vector_store %arg5[%swap3A, %swap3A_33], %max3A_32 {strides = array<i32>} : memref<1000x1024xf32, #tpu.memory_space<vmem>>, vector<1000x1024xf32>,
    return
  }
  func.func @transform_0(%arg0: i32) -> (i32, i32, i32) {
    %c0_i32 = arith.constant 0 : i32
    %c0_i32_0 = arith.constant 0 : i32
    %c0_i32_1 = arith.constant 0 : i32
    return %c0_i32, %arg0, %c0_i32_0 : i32, i32, i32
  }
  func.func @transform_1(%arg0: i32) -> (i32, i32, i32) {
    %c0_i32 = arith.constant 0 : i32
    %c0_i32_0 = arith.constant 0 : i32
    %c0_i32_1 = arith.constant 0 : i32
    return %c0_i32, %arg0, %c0_i32_0 : i32, i32, i32
  }
  func.func @transform_2(%arg0: i32) -> (i32, i32) {
    %c0_i32 = arith.constant 0 : i32
    %c0_i32_0 = arith.constant 0 : i32
    return %arg0, %c0_i32 : i32, i32
  }
  func.func @transform_3(%arg0: i32) -> (i32, i32) {
    %c0_i32 = arith.constant 0 : i32
    %c0_i32_0 = arith.constant 0 : i32
    %c0_i32_1 = arith.constant 0 : i32
    return %c0_i32, %c0_i32_0 : i32, i32
  }
  func.func @transform_4(%arg0: i32) -> (i32, i32) {
    %c0_i32 = arith.constant 0 : i32
    %c0_i32_0 = arith.constant 0 : i32
    return %arg0, %c0_i32 : i32, i32
  }
}

module attributes {stable_mosaic.version = 14 : i64} {
  func.func @_tc2a_body(%arg0: i32, %arg1: memref<1000x1024xf32, #tpu.memory_space<vmem>>, %arg2: memref<1024x128xf32, #tpu.memory_space<vmem>>, %arg3: memref<2x1000x64xf32, #tpu.memory_space<vmem>>) attributes {dimension_semantics = [#tpu.dimension_semantics<arbitrary>], iteration_bounds = array<i64: 10>, scalar_prefetch = 0 : i64, scratch_operands = 0 : i64, tpu.core_type = #tpu.core_type<tc>, window_params = [{transform_indices = @transform_0, window_bounds = array<i64: 1000, 1024>}, {pipeline_mode = #tpu.pipeline_mode<synchronous>, transform_indices = @transform_1, window_bounds = array<i64: 1024, 128>}, {transform_indices = @transform_2, window_bounds = array<i64: 2, 1000, 64>}]} {
    %get3A = arith.constant 0 : index
    %get3A_0 = arith.constant 0 : index
    %get3A_1 = vector.load %arg1[%get3A, %get3A_0] : memref<1000x1024xf32, #tpu.memory_space<vmem>>, vector<1000x1024xf32>
    %get3A_2 = arith.constant 0 : index
    %get3A_3 = arith.constant 0 : index
    %get3A_4 = vector.load %arg2[%get3A_2, %get3A_3] : memref<1024x128xf32, #tpu.memory_space<vmem>>, vector<1024x128xf32>
    %dot_general3A = arith.constant dense<0.000000e+00> : vector<1000x128xf32>
    %dot_general3A_5 = tpu.matmul %get3A_1, %get3A_4, %dot_general3A {dimension_numbers = #tpu.dot_dimension_numbers<[1], [0], [0], [1], [0, 0, 1, 1], [], []>, transpose_lhs_hint = false} : vector<1000x1024xf32>, vector<1024x128xf32>, vector<1000x128xf32> -> vector<1000x128xf32>
    %slice3A = vector.extract_strided_slice %dot_general3A_5 {offsets = [0, 0], sizes = [1000, 64], strides = [1, 1]} : vector<1000x128xf32> to vector<1000x64xf32>
    %swap3A = arith.constant 0 : index
    %swap3A_6 = arith.constant 0 : index
    %swap3A_7 = arith.constant 0 : index
    %swap3A_8 = vector.load %arg3[%swap3A, %swap3A_6, %swap3A_7] : memref<2x1000x64xf32, #tpu.memory_space<vmem>>, vector<1x1000x64xf32>
    %swap3A_9 = vector.shape_cast %swap3A_8 : vector<1x1000x64xf32> to vector<1000x64xf32>
    %swap3A_10 = vector.shape_cast %slice3A : vector<1000x64xf32> to vector<1x1000x64xf32>
    tpu.vector_store %arg3[%swap3A, %swap3A_6, %swap3A_7], %swap3A_10 {strides = array<i32>} : memref<2x1000x64xf32, #tpu.memory_space<vmem>>, vector<1x1000x64xf32>,
    %slice3A_11 = vector.extract_strided_slice %dot_general3A_5 {offsets = [0, 64], sizes = [1000, 64], strides = [1, 1]} : vector<1000x128xf32> to vector<1000x64xf32>
    %swap3A_12 = arith.constant 1 : index
    %swap3A_13 = arith.constant 0 : index
    %swap3A_14 = arith.constant 0 : index
    %swap3A_15 = vector.load %arg3[%swap3A_12, %swap3A_13, %swap3A_14] : memref<2x1000x64xf32, #tpu.memory_space<vmem>>, vector<1x1000x64xf32>
    %swap3A_16 = vector.shape_cast %swap3A_15 : vector<1x1000x64xf32> to vector<1000x64xf32>
    %swap3A_17 = vector.shape_cast %slice3A_11 : vector<1000x64xf32> to vector<1x1000x64xf32>
    tpu.vector_store %arg3[%swap3A_12, %swap3A_13, %swap3A_14], %swap3A_17 {strides = array<i32>} : memref<2x1000x64xf32, #tpu.memory_space<vmem>>, vector<1x1000x64xf32>,
    return
  }
  func.func @transform_0(%arg0: i32) -> (i32, i32) {
    %c0_i32 = arith.constant 0 : i32
    %c0_i32_0 = arith.constant 0 : i32
    return %arg0, %c0_i32 : i32, i32
  }
  func.func @transform_1(%arg0: i32) -> (i32, i32) {
    %c0_i32 = arith.constant 0 : i32
    %c0_i32_0 = arith.constant 0 : i32
    %c0_i32_1 = arith.constant 0 : i32
    return %c0_i32, %c0_i32_0 : i32, i32
  }
  func.func @transform_2(%arg0: i32) -> (i32, i32, i32) {
    %c0_i32 = arith.constant 0 : i32
    %c0_i32_0 = arith.constant 0 : i32
    %c0_i32_1 = arith.constant 0 : i32
    return %c0_i32, %arg0, %c0_i32_0 : i32, i32, i32
  }
}

module attributes {stable_mosaic.version = 14 : i64} {
  func.func @_tc2b_body(%arg0: i32, %arg1: memref<1000x1024xf32, #tpu.memory_space<vmem>>, %arg2: memref<1024x128xf32, #tpu.memory_space<vmem>>, %arg3: memref<1000x128xf32, #tpu.memory_space<vmem>>) attributes {dimension_semantics = [#tpu.dimension_semantics<arbitrary>], iteration_bounds = array<i64: 10>, scalar_prefetch = 0 : i64, scratch_operands = 0 : i64, tpu.core_type = #tpu.core_type<tc>, window_params = [{transform_indices = @transform_0, window_bounds = array<i64: 1000, 1024>}, {pipeline_mode = #tpu.pipeline_mode<synchronous>, transform_indices = @transform_1, window_bounds = array<i64: 1024, 128>}, {transform_indices = @transform_2, window_bounds = array<i64: 1000, 128>}]} {
    %get3A = arith.constant 0 : index
    %get3A_0 = arith.constant 0 : index
    %get3A_1 = vector.load %arg1[%get3A, %get3A_0] : memref<1000x1024xf32, #tpu.memory_space<vmem>>, vector<1000x1024xf32>
    %get3A_2 = arith.constant 0 : index
    %get3A_3 = arith.constant 0 : index
    %get3A_4 = vector.load %arg2[%get3A_2, %get3A_3] : memref<1024x128xf32, #tpu.memory_space<vmem>>, vector<1024x128xf32>
    %dot_general3A = arith.constant dense<0.000000e+00> : vector<1000x128xf32>
    %dot_general3A_5 = tpu.matmul %get3A_1, %get3A_4, %dot_general3A {dimension_numbers = #tpu.dot_dimension_numbers<[1], [0], [0], [1], [0, 0, 1, 1], [], []>, transpose_lhs_hint = false} : vector<1000x1024xf32>, vector<1024x128xf32>, vector<1000x128xf32> -> vector<1000x128xf32>
    %swap3A = arith.constant 0 : index
    %swap3A_6 = arith.constant 0 : index
    %swap3A_7 = vector.load %arg3[%swap3A, %swap3A_6] : memref<1000x128xf32, #tpu.memory_space<vmem>>, vector<1000x128xf32>
    tpu.vector_store %arg3[%swap3A, %swap3A_6], %dot_general3A_5 {strides = array<i32>} : memref<1000x128xf32, #tpu.memory_space<vmem>>, vector<1000x128xf32>,
    return
  }
  func.func @transform_0(%arg0: i32) -> (i32, i32) {
    %c0_i32 = arith.constant 0 : i32
    %c0_i32_0 = arith.constant 0 : i32
    return %arg0, %c0_i32 : i32, i32
  }
  func.func @transform_1(%arg0: i32) -> (i32, i32) {
    %c0_i32 = arith.constant 0 : i32
    %c0_i32_0 = arith.constant 0 : i32
    %c0_i32_1 = arith.constant 0 : i32
    return %c0_i32, %c0_i32_0 : i32, i32
  }
  func.func @transform_2(%arg0: i32) -> (i32, i32) {
    %c0_i32 = arith.constant 0 : i32
    %c0_i32_0 = arith.constant 0 : i32
    return %arg0, %c0_i32 : i32, i32
  }
}

module attributes {stable_mosaic.version = 14 : i64} {
  func.func @_tc3_body(%arg0: i32, %arg1: memref<2x1000x64xf32, #tpu.memory_space<vmem>>, %arg2: memref<2x1000x16xf32, #tpu.memory_space<vmem>>, %arg3: memref<1000x128xf32, #tpu.memory_space<vmem>>, %arg4: memref<1x128xf32, #tpu.memory_space<vmem>>, %arg5: memref<1000x128xf32, #tpu.memory_space<vmem>>) attributes {dimension_semantics = [#tpu.dimension_semantics<arbitrary>], iteration_bounds = array<i64: 10>, scalar_prefetch = 0 : i64, scratch_operands = 0 : i64, tpu.core_type = #tpu.core_type<tc>, window_params = [{transform_indices = @transform_0, window_bounds = array<i64: 2, 1000, 64>}, {transform_indices = @transform_1, window_bounds = array<i64: 2, 1000, 16>}, {transform_indices = @transform_2, window_bounds = array<i64: 1000, 128>}, {pipeline_mode = #tpu.pipeline_mode<synchronous>, transform_indices = @transform_3, window_bounds = array<i64: 1, 128>}, {transform_indices = @transform_4, window_bounds = array<i64: 1000, 128>}]} {
    %get3A = arith.constant 0 : index
    %get3A_0 = arith.constant 0 : index
    %get3A_1 = arith.constant 0 : index
    %get3A_2 = vector.load %arg1[%get3A, %get3A_0, %get3A_1] : memref<2x1000x64xf32, #tpu.memory_space<vmem>>, vector<1x1000x64xf32>
    %get3A_3 = vector.shape_cast %get3A_2 : vector<1x1000x64xf32> to vector<1000x64xf32>
    %get3A_4 = arith.constant 1 : index
    %get3A_5 = arith.constant 0 : index
    %get3A_6 = arith.constant 0 : index
    %get3A_7 = vector.load %arg1[%get3A_4, %get3A_5, %get3A_6] : memref<2x1000x64xf32, #tpu.memory_space<vmem>>, vector<1x1000x64xf32>
    %get3A_8 = vector.shape_cast %get3A_7 : vector<1x1000x64xf32> to vector<1000x64xf32>
    %concatenate3A = tpu.concatenate %get3A_3, %get3A_8 in 1 : vector<1000x64xf32>, vector<1000x64xf32> -> vector<1000x128xf32>
    %get3A_9 = arith.constant 0 : index
    %get3A_10 = arith.constant 0 : index
    %get3A_11 = arith.constant 0 : index
    %get3A_12 = vector.load %arg2[%get3A_9, %get3A_10, %get3A_11] : memref<2x1000x16xf32, #tpu.memory_space<vmem>>, vector<1x1000x1xf32>
    %get3A_13 = vector.shape_cast %get3A_12 : vector<1x1000x1xf32> to vector<1000x1xf32>
    %get3A_14 = arith.constant 1 : index
    %get3A_15 = arith.constant 0 : index
    %get3A_16 = arith.constant 0 : index
    %get3A_17 = vector.load %arg2[%get3A_14, %get3A_15, %get3A_16] : memref<2x1000x16xf32, #tpu.memory_space<vmem>>, vector<1x1000x1xf32>
    %get3A_18 = vector.shape_cast %get3A_17 : vector<1x1000x1xf32> to vector<1000x1xf32>
    %add3A = arith.addf %get3A_13, %get3A_18 : vector<1000x1xf32>
    %max3A = arith.constant 1.000000e+00 : f32
    %max3A_19 = vector.broadcast %max3A : f32 to vector<1000x1xf32>
    %max3A_20 = arith.maximumf %add3A, %max3A_19 : vector<1000x1xf32>
    %div3A = vector.broadcast %max3A_20 : vector<1000x1xf32> to vector<1000x128xf32>
    %div3A_21 = arith.divf %concatenate3A, %div3A : vector<1000x128xf32>
    %get3A_22 = arith.constant 0 : index
    %get3A_23 = arith.constant 0 : index
    %get3A_24 = vector.load %arg3[%get3A_22, %get3A_23] : memref<1000x128xf32, #tpu.memory_space<vmem>>, vector<1000x128xf32>
    %add3A_25 = arith.addf %div3A_21, %get3A_24 : vector<1000x128xf32>
    %get3A_26 = arith.constant 0 : index
    %get3A_27 = arith.constant 0 : index
    %get3A_28 = vector.load %arg4[%get3A_26, %get3A_27] : memref<1x128xf32, #tpu.memory_space<vmem>>, vector<1x128xf32>
    %add3A_29 = vector.broadcast %get3A_28 : vector<1x128xf32> to vector<1000x128xf32>
    %add3A_30 = arith.addf %add3A_25, %add3A_29 : vector<1000x128xf32>
    %reduce_max3A = arith.constant dense<0xFF800000> : vector<1000xf32>
    %reduce_max3A_31 = vector.multi_reduction <maximumf>, %add3A_30, %reduce_max3A [1] : vector<1000x128xf32> to vector<1000xf32>
    %broadcast_in_dim3A = vector.shape_cast %reduce_max3A_31 : vector<1000xf32> to vector<1000x1xf32>
    %sub3A = vector.broadcast %broadcast_in_dim3A : vector<1000x1xf32> to vector<1000x128xf32>
    %sub3A_32 = arith.subf %add3A_30, %sub3A : vector<1000x128xf32>
    %exp3A = math.exp %sub3A_32 : vector<1000x128xf32>
    %reduce_sum3A = arith.constant dense<0.000000e+00> : vector<1000xf32>
    %reduce_sum3A_33 = vector.multi_reduction <add>, %exp3A, %reduce_sum3A [1] : vector<1000x128xf32> to vector<1000xf32>
    %broadcast_in_dim3A_34 = vector.shape_cast %reduce_sum3A_33 : vector<1000xf32> to vector<1000x1xf32>
    %log3A = math.log %broadcast_in_dim3A_34 : vector<1000x1xf32>
    %add3A_35 = arith.addf %broadcast_in_dim3A, %log3A : vector<1000x1xf32>
    %sub3A_36 = vector.broadcast %add3A_35 : vector<1000x1xf32> to vector<1000x128xf32>
    %sub3A_37 = arith.subf %add3A_30, %sub3A_36 : vector<1000x128xf32>
    %swap3A = arith.constant 0 : index
    %swap3A_38 = arith.constant 0 : index
    %swap3A_39 = vector.load %arg5[%swap3A, %swap3A_38] : memref<1000x128xf32, #tpu.memory_space<vmem>>, vector<1000x128xf32>
    tpu.vector_store %arg5[%swap3A, %swap3A_38], %sub3A_37 {strides = array<i32>} : memref<1000x128xf32, #tpu.memory_space<vmem>>, vector<1000x128xf32>,
    return
  }
  func.func @transform_0(%arg0: i32) -> (i32, i32, i32) {
    %c0_i32 = arith.constant 0 : i32
    %c0_i32_0 = arith.constant 0 : i32
    %c0_i32_1 = arith.constant 0 : i32
    return %c0_i32, %arg0, %c0_i32_0 : i32, i32, i32
  }
  func.func @transform_1(%arg0: i32) -> (i32, i32, i32) {
    %c0_i32 = arith.constant 0 : i32
    %c0_i32_0 = arith.constant 0 : i32
    %c0_i32_1 = arith.constant 0 : i32
    return %c0_i32, %arg0, %c0_i32_0 : i32, i32, i32
  }
  func.func @transform_2(%arg0: i32) -> (i32, i32) {
    %c0_i32 = arith.constant 0 : i32
    %c0_i32_0 = arith.constant 0 : i32
    return %arg0, %c0_i32 : i32, i32
  }
  func.func @transform_3(%arg0: i32) -> (i32, i32) {
    %c0_i32 = arith.constant 0 : i32
    %c0_i32_0 = arith.constant 0 : i32
    %c0_i32_1 = arith.constant 0 : i32
    return %c0_i32, %c0_i32_0 : i32, i32
  }
  func.func @transform_4(%arg0: i32) -> (i32, i32) {
    %c0_i32 = arith.constant 0 : i32
    %c0_i32_0 = arith.constant 0 : i32
    return %arg0, %c0_i32 : i32, i32
  }
}

</mosaic_0001>

<sc_bundles>
// kernel: seg_sum.3.cloned.1.call-start
scs
__scs_entry_jumppad:
0x0: {  	(pc) =	sbr.rel $0x88, $3  }
0x1: {  	(tag) =	ssettag $0x0;
	lr =	simm.s32 $0x1  }
0x2: {  	[smem:$0x3F99] =	sst lr;
	_ =	strace $0xD0000000  }
0x3: {  	_ = 	snop  }
0x4: {  	_ = 	snop  }
0x5: {  	_ = 	snop  }
0x6: {  	_ = 	snop  }
0x7: {  	_ = 	snop  }
__scs_overlays_trampoline_lowered:
0x8: {  	[smem:$0x3FA8] =	sst s0  }
0x9: {  	[smem:$0x3FA9] =	sst s1  }
0xa: {  	[smem:$0x3FAA] =	sst s2  }
0xb: {  	[smem:$0x3FAB] =	sst s3  }
0xc: {  	[smem:$0x3FAC] =	sst s4  }
0xd: {  	[smem:$0x3FAD] =	sst s5  }
0xe: {  	[smem:$0x3FAE] =	sst s6  }
0xf: {  	[smem:$0x3FAF] =	sst s7  }
0x10: {  	[smem:$0x3FB0] =	sst s8  }
0x11: {  	[smem:$0x3FB1] =	sst s9;
	s0 =	simm.s32 @!p0 $0x0  }
0x12: {  	s1 =	sld [smem:$0x3F97];
	s0 =	simm.s32 @p0 $0x1  }
0x13: {  	[smem:$0x3FB2] =	sst s0;
	s0 =	simm.s32 @!p1 $0x0  }
0x14: {  	s2 =	sld [smem:$0x3F96];
	s0 =	simm.s32 @p1 $0x1  }
0x15: {  	[smem:$0x3FB3] =	sst s0;
	s0 =	simm.s32 @!p2 $0x0  }
0x16: {  	s3 =	sld [smem:$0x3FDB];
	s0 =	simm.s32 @p2 $0x1  }
0x17: {  	s4 =	simm.s32 $0x1BF5;
	[smem:$0x3FB5] =	sst s0  }
0x18: {  	s0 =	sld [smem:$0x3F98];
	_ =	swait.ge [sflag:s4], $0x0  }
0x19: {  	s7 =	sld [smem:$0x3F99]  }
0x1a: {  	s8 =	sadd.s32 $0xFFFFE003, lr  }
0x1b: {  	s9 =	sadd.s32 $0xFFFFFEF7, lr;
	s5 =	simm.s32 $0xFFFFFFFF;
	p2 =	slt.u32 s8, $0xFFFFF086  }
0x1c: {  	p1 =	slt.u32 s9, $0xF7A;
	s5 =	simm.s32 @!p2 $0x0  }
0x1d: {  	s5 =	simm.s32 @p1 $0x1;
	p0 =	seq.s32 s7, s2  }
0x1e: {  	s7 =	smul.u32 @!p0 $0xF7A, s2;
	p2 =	seq.s32 @!p0 s5, $0x0  }
0x1f: {  	s9 =	smul.u32 $0xF7A, s1;
	s8 =	simm.s32 @!p0 $0x1BF5;
	p2 =	por !p2, p0  }
0x20: {  	[sflag:s8] =	ssyncset.s32 @!p0 $0xFFFFF086;
	s6 =	sadd.s32 @!p0 s3, s7;
	s7 =	simm.s32 @!p0 $0x108  }
0x21: {  	s3 =	sadd.s32 s3, s9;
	s6 =	sadd.s32 @!p0 $0x88, s6;
	s7 =	simm.s32 @p2 $0x1082  }
0x22: {  	[simem:s7], [sflag:s8] =	dma.local @!p0 [hbm:s6], $0xF7A  }
0x23: {  	s9 =	sor.u32 $0xD0000000, s2;
	s6 =	simm.s32 $0x108;
	_ =	swait.ge @!p0 [sflag:s8], $0x0  }
0x24: {  	s3 =	sadd.s32 $0x88, s3;
	s6 =	simm.s32 @!p1 $0x1082;
	[sflag:s4] =	ssyncset.s32 $0xFFFFF086  }
0x25: {  	[simem:s6], [sflag:s4] =	dma.local [hbm:s3], $0xF7A  }
0x26: {  	[smem:$0x3F99] =	sst s1;
	(tag) =	ssettag s2;
	_ =	strace s9  }
0x27: {  	s1 =	sld [smem:$0x3FA9]  }
0x28: {  	s2 =	sld [smem:$0x3FAA]  }
0x29: {  	s4 =	sld [smem:$0x3FAC]  }
0x2a: {  	p0 =	seq.s32 s5, $0x0;
	s5 =	sld [smem:$0x3FAD]  }
0x2b: {  	s6 =	sld [smem:$0x3FAE]  }
0x2c: {  	s7 =	sld [smem:$0x3FAF]  }
0x2d: {  	s3 =	simm.s32 $0x108;
	s8 =	sld [smem:$0x3FB0]  }
0x2e: {  	s3 =	simm.s32 @!p0 $0x1082;
	s9 =	sld [smem:$0x3FB1]  }
0x2f: {  	lr =	sadd.s32 s0, s3;
	s0 =	sld [smem:$0x3FA8]  }
0x30: {  	s3 =	sld [smem:$0x3FAB]  }
0x31: {  	[smem:$0x3FB4] =	sst s10  }
0x32: {  	s10 =	sld [smem:$0x3FB2];
	_ =	sdelay $0x3  }
0x33: {  	p0 =	seq.s32 s10, $0x1;
	s10 =	sld [smem:$0x3FB4];
	_ =	sdelay $0x3  }
0x34: {  	[smem:$0x3FB4] =	sst s10  }
0x35: {  	s10 =	sld [smem:$0x3FB3];
	_ =	sdelay $0x3  }
0x36: {  	p1 =	seq.s32 s10, $0x1;
	s10 =	sld [smem:$0x3FB4];
	_ =	sdelay $0x3  }
0x37: {  	[smem:$0x3FB4] =	sst s10  }
0x38: {  	s10 =	sld [smem:$0x3FB5]  }
0x39: {  	_ = 	snop;
	(pc) =	sbr.ind lr, $3  }
0x3a: {  	_ = 	snop  }
0x3b: {  	_ = 	snop  }
0x3c: {  	p2 =	seq.s32 s10, $0x1;
	s10 =	sld [smem:$0x3FB4]  }
0x3d: {  	_ =	shalt  }
0x3e: {  	_ =	shalt  }
0x3f: {  	_ =	shalt  }
0x40: {  	_ =	shalt  }
0x41: {  	_ =	shalt  }
0x42: {  	_ =	shalt  }
0x43: {  	_ =	shalt  }
0x44: {  	_ =	shalt  }
0x45: {  	_ =	shalt  }
0x46: {  	_ =	shalt  }
0x47: {  	_ =	shalt  }
0x48: {  	_ =	shalt  }
0x49: {  	_ =	shalt  }
0x4a: {  	_ =	shalt  }
0x4b: {  	_ =	shalt  }
0x4c: {  	_ =	shalt  }
0x4d: {  	_ =	shalt  }
0x4e: {  	_ =	shalt  }
0x4f: {  	_ =	shalt  }
0x50: {  	_ =	shalt  }
0x51: {  	_ =	shalt  }
0x52: {  	_ =	shalt  }
0x53: {  	_ =	shalt  }
0x54: {  	_ =	shalt  }
0x55: {  	_ =	shalt  }
0x56: {  	_ =	shalt  }
0x57: {  	_ =	shalt  }
0x58: {  	_ =	shalt  }
0x59: {  	_ =	shalt  }
0x5a: {  	_ =	shalt  }
0x5b: {  	_ =	shalt  }
0x5c: {  	_ =	shalt  }
0x5d: {  	_ =	shalt  }
0x5e: {  	_ =	shalt  }
0x5f: {  	_ =	shalt  }
0x60: {  	_ =	shalt  }
0x61: {  	_ =	shalt  }
0x62: {  	_ =	shalt  }
0x63: {  	_ =	shalt  }
0x64: {  	_ =	shalt  }
0x65: {  	_ =	shalt  }
0x66: {  	_ =	shalt  }
0x67: {  	_ =	shalt  }
0x68: {  	_ =	shalt  }
0x69: {  	_ =	shalt  }
0x6a: {  	_ =	shalt  }
0x6b: {  	_ =	shalt  }
0x6c: {  	_ =	shalt  }
0x6d: {  	_ =	shalt  }
0x6e: {  	_ =	shalt  }
0x6f: {  	_ =	shalt  }
0x70: {  	_ =	shalt  }
0x71: {  	_ =	shalt  }
0x72: {  	_ =	shalt  }
0x73: {  	_ =	shalt  }
0x74: {  	_ =	shalt  }
0x75: {  	_ =	shalt  }
0x76: {  	_ =	shalt  }
0x77: {  	_ =	shalt  }
0x78: {  	_ =	shalt  }
0x79: {  	_ =	shalt  }
0x7a: {  	_ =	shalt  }
0x7b: {  	_ =	shalt  }
0x7c: {  	_ =	shalt  }
0x7d: {  	_ =	shalt  }
0x7e: {  	_ =	shalt  }
0x7f: {  	_ =	shalt  }
0x80: {  	_ =	shalt  }
0x81: {  	_ =	shalt  }
0x82: {  	_ =	shalt  }
0x83: {  	_ =	shalt  }
0x84: {  	_ =	shalt  }
0x85: {  	_ =	shalt  }
0x86: {  	_ =	shalt  }
0x87: {  	_ =	shalt  }
.Lfunc_end0:
.L_simem_size_0:
called_computation.1_lowered:
.L_overlay_start_0:
0x88: {  	s2 =	sld [smem:$0x3FD9]  }
0x89: {  	s3 =	sld [smem:$0x3FFE];
	_ =	sdelay $0x1  }
0x8a: {  	s1 =	srdreg.scid  }
0x8b: {  	s0 =	sand.u32 $0x1, s1  }
0x8c: {  	s17 =	sshll.u32 s0, $0xA;
	s2 =	sadd.s32 s3, s2  }
0x8d: {  	s2 =	sadd.s32 s2, s17  }
0x8e: {  	[smem:$0x3FC0] =	sst s2  }
0x8f: {  	_ = 	snop  }
0x90: {  	s2 =	sld [smem:$0x3FD0];
	(tm) =	ssettm $0x1  }
0x91: {  	s18 =	sld [smem:$0x3FFB];
	_ =	sdelay $0x3  }
0x92: {  	_ =	strace s18  }
0x93: {  	s3 =	sld [smem:$0x3FFC];
	_ =	sdelay $0x3  }
0x94: {  	_ =	strace s3  }
0x95: {  	s3 =	sld [smem:$0x3FFD];
	_ =	sdelay $0x3  }
0x96: {  	_ =	strace s3  }
0x97: {  	_ =	strace $0x8FFFFFFF  }
0x98: {  	s19 =	sld [smem:$0x3FDB];
	_ =	sdelay $0x1  }
0x99: {  	s4 =	simm.s32 $_scs_section_size  }
0x9a: {  	s5 =	simm.s32 $_size__tile_overlayer_lowered;
	s6 =	simm.s32 $_tile_overlayer_lowered  }
0x9b: {  	s22 =	simm.s32 $0x1BFF;
	s21 =	sshll.u32 s6, $0x1;
	s3 =	sadd.s32 s4, s19  }
0x9c: {  	s7 =	simm.s32 $0x0;
	s20 =	sshll.u32 s5, $0x1;
	s5 =	sadd.s32 s21, s3  }
0x9d: {  	[timem:s7], [sflag:s22] =	dma.local [hbm:s5], s20  }
0x9e: {  	_ =	swait.ge [sflag:s22], s20  }
0x9f: {  	s4 =	ssub.s32 $0x0, s20;
	[sflag:s22] =	ssyncset.done $0x0  }
0xa0: {  	[sflag:s22] =	ssyncadd.s32 s4;
	_ =	sdelay $0x1  }
0xa1: {  	s23 =	simm.s32 $0x1B8B  }
0xa2: {  	_ =	swait.ge [sflag:s23], $0x1  }
0xa3: {  	[sflag:s23] =	ssyncset.done $0x0  }
0xa4: {  	s25 =	simm.s32 $0x1B8E;
	s24 =	sld [smem:$0x3FFE];
	[sflag:s23] =	ssyncadd.s32 $0xFFFFFFFF  }
0xa5: {  	s26 =	simm.s32 $execute0_lowered;
	[smem:$0x3FD2] =	sst s25  }
0xa6: {  	s5 =	sshll.u32 s26, $0x1;
	_ =	strace $0x80000049;
	[dreg:$0x1] =	wrdreg $0xFFFFFFFF  }
0xa7: {  	s28 =	simm.s32 $_size_execute0_lowered;
	s3 =	sadd.s32 s3, s5;
	[dreg:$0x0] =	wrdreg $0x0  }
0xa8: {  	s5 =	sshll.u32 s28, $0x1;
	[dreg:$0x2] =	wrdreg s3  }
0xa9: {  	[dreg:$0x3] =	wrdreg s5  }
0xaa: {  	[dreg:$0x4] =	wrdreg $0xC0  }
0xab: {  	_ =	task [dreg:s7], $0x5FFFF  }
0xac: {  	[dreg:$0x1] =	wrdreg $0xFFFFFFFF  }
0xad: {  	[dreg:$0x0] =	wrdreg $0x60  }
0xae: {  	[dreg:$0x2] =	wrdreg s2  }
0xaf: {  	[dreg:$0x3] =	wrdreg s24  }
0xb0: {  	[dreg:$0x4] =	wrdreg $0x120000  }
0xb1: {  	[dreg:$0x5] =	wrdreg $0x9  }
0xb2: {  	_ =	task.clear_ibuf [dreg:s7], $0x6FFFF;
	_ =	strace $0x90000049  }
0xb3: {  	s29 =	simm.s32 $0x9;
	_ =	strace $0x8000004B  }
0xb4: {  	_ =	swait.ge [sflag:s29], $0x1  }
0xb5: {  	[sflag:s29] =	ssyncadd.s32 $0xFFFFFFFF  }
0xb6: {  	_ =	strace $0x9000004B  }
0xb7: {  	_ =	sfence  }
0xb8: {  	s30 =	sld [smem:$0x0];
	_ =	sdelay $0x2  }
0xb9: {  	s31 =	sshll.u32 s1, $0xD;
	s1 =	sshrl.u32 s1, $0x2  }
0xba: {  	s3 =	sand.u32 $0x4000, s31;
	s1 =	sadd.s32 s1, s30  }
0xbb: {  	s0 =	sor.u32 s3, s0;
	s1 =	sshll.u32 s1, $0x11  }
0xbc: {  	s0 =	sor.u32 s1, s0  }
0xbd: {  	s0 =	sadd.s32 $0x8F2B, s0  }
0xbe: {  	[sflag:s0] =	ssyncadd.remote.s32 $0x1  }
0xbf: {  	_ =	sfence.sel $0xFFFF  }
0xc0: {  	[dreg:$0x0] =	wrdreg $0xFFFFFFFF;
	(pc) =	sbr.abs _section_cstart, $3  }
0xc1: {  	[dreg:$0x1] =	wrdreg $0xFFFFFFFF  }
0xc2: {  	_ =	task.clear_ibuf [dreg:s7], $0x2FFFF;
	_ =	strace $0x9FFFFFFF  }
0xc3: {  	(tm) =	ssettm $0x7FFFFFFF  }
tec
execute0_lowered:
.L_overlay_start_1:
0x0: {  	(tag) =	ssettag $0x1  }
0x1: {  	s8 =	rddreg [dreg:$0x0]  }
0x2: {  	s5 =	rddreg [dreg:$0x1]  }
0x3: {  	s2 =	rddreg [dreg:$0x2]  }
0x4: {  	s1 =	stileid.u32;
	s6 =	srdreg.scid;
	s3 =	simm.s32 $0x0  }
0x5: {  	s14 =	simm.s32 $0x80;
	s15 =	simm.s32 $0xA000;
	s16 =	simm.s32 $0xC000  }
0x6: {  	s17 =	simm.s32 $0x100;
	s18 =	simm.s32 $0xE000;
	s19 =	simm.s32 $0x180  }
0x7: {  	s20 =	simm.s32 $0x10000;
	s21 =	simm.s32 $0x1;
	s22 =	simm.s32 $0x3  }
0x8: {  	s23 =	simm.s32 $0x2;
	s24 =	simm.s32 $0x9E00;
	s25 =	simm.s32 $0x9E80  }
0x9: {  	s26 =	simm.s32 $0x9F00;
	s28 =	simm.s32 $0x9F80;
	s4 =	smul.u32 $0x5000, s1  }
0xa: {  	s29 =	simm.s32 $0x0;
	s6 =	sand.u32 $0x1, s6;
	s7 =	smul.u32 $0x9E00, s1  }
0xb: {  	[smem:$0x7FF] =	sst s3;
	s31 =	sshll.u32 s1, $0x6;
	s9 =	smul.u32 $0x9E000, s6  }
0xc: {  	_ =	strace $0x8000004A;
	s10 =	ssub.s32 $0x2, s6;
	s13 =	smul.u32 $0x13880, s6  }
0xd: {  	s4 =	sshrl.u32 s4, $0x3;
	s12 =	sshrl.u32 s10, $0x1;
	s30 =	sadd.s32 s7, s2  }
0xe: {  	s9 =	sadd.s32 s7, s9;
	s11 =	sadd.s32 s4, s5;
	s4 =	sadd.s32 $0x16C00, s5  }
0xf: {  	s10 =	ssub.s32 s10, s12;
	s8 =	sadd.s32 s8, s13;
	s12 =	simm.s32 $0x4  }
0x10: {  	s13 =	simm.s32 $0x5000;
	s9 =	sshrl.u32 s9, $0x3;
	s6 =	sadd.s32 $0x2400, s11  }
0x11: {  	s7 =	sadd.s32 $0xC400, s11;
	s10 =	smax.u32 s10, $0x1;
	s9 =	sadd.s32 s9, s5  }
0x12: {  	s11 =	sshrl.u32 s30, $0x3;
	s5 =	sor.u32 $0x1C04, s31;
	s9 =	sadd.s32 $0x18000, s9  }
.LBB2_1:
0x13: {  	[spmem:s11], [sflag:s5] =	dma.local [hbm:s4], $0x13C0  }
0x14: {  	_ =	swait.ge [sflag:s12], $0x13C0  }
0x15: {  	[sflag:s12] =	ssyncset.done $0x0  }
0x16: {  	[sflag:s12] =	ssyncadd.s32 $0xFFFFEC40  }
0x17: {  	[tilespmem:s3], [sflag:$0x4] =	stream.linear.gather [hbm4b:s6+s3], $0x5000, $0x38;
	[tilespmem:$0x1BE00] =	vst v63  }
0x18: {  	_ =	swait.ge [sflag:s12], $0x5000  }
0x19: {  	[sflag:s12] =	ssyncset.done $0x0  }
0x1a: {  	[sflag:s12] =	ssyncadd.s32 $0xFFFFB000  }
0x1b: {  	[tilespmem:s13], [sflag:$0x4] =	stream.linear.gather [hbm4b:s7+s3], $0x5000, $0x38;
	[tilespmem:$0x1BE00] =	vst v63  }
0x1c: {  	_ =	swait.ge [sflag:s12], $0x5000  }
0x1d: {  	[sflag:s12] =	ssyncset.done $0x0  }
0x1e: {  	[sflag:s12] =	ssyncadd.s32 $0xFFFFB000  }
0x1f: {  	[bflag:$0x0] =	sbarrier.arrive $0xFFFF  }
0x20: {  	[tilespmem:s15], [sflag:$0x1] =	stream.indirect.gather [hbm4b:s8+s14], $0x40, s3, s14, $0xb8;
	[tilespmem:$0x1BE00] =	vst v63  }
0x21: {  	_ = 	snop  }
0x22: {  	[tilespmem:s16], [sflag:$0x1] =	stream.indirect.gather [hbm4b:s8+s14], $0x40, s14, s14, $0xb8;
	[tilespmem:$0x1BE00] =	vst v63  }
0x23: {  	_ = 	snop  }
0x24: {  	[tilespmem:s18], [sflag:$0x2] =	stream.indirect.gather [hbm4b:s8+s14], $0x40, s17, s14, $0xb8;
	[tilespmem:$0x1BE00] =	vst v63  }
0x25: {  	_ = 	snop  }
0x26: {  	[tilespmem:s20], [sflag:$0x2] =	stream.indirect.gather [hbm4b:s8+s14], $0x40, s19, s14, $0xb8;
	[tilespmem:$0x1BE00] =	vst v63  }
0x27: {  	_ =	swait.ge [sflag:s21], $0x2000  }
0x28: {  	[sflag:s21] =	ssyncset.done $0x0  }
0x29: {  	[sflag:s21] =	ssyncadd.s32 $0xFFFFE000  }
0x2a: {  	_ =	swait.ge [sflag:s21], $0x2000  }
0x2b: {  	[sflag:s21] =	ssyncset.done $0x0  }
0x2c: {  	s30 =	simm.s32 $0x5000;
	[sflag:s21] =	ssyncadd.s32 $0xFFFFE000  }
0x2d: {  	[spmem:s2] =	stream.indirect.scatter.add.f32 [tilespmem:s15], [sflag:$0x3], $0x40, s30, s14, $0xb8;
	[tilespmem:$0x1BE00] =	vst v63  }
0x2e: {  	s30 =	simm.s32 $0x5080  }
0x2f: {  	[spmem:s2] =	stream.indirect.scatter.add.f32 [tilespmem:s16], [sflag:$0x3], $0x40, s30, s14, $0xb8;
	[tilespmem:$0x1BE00] =	vst v63  }
0x30: {  	_ =	swait.ge [sflag:s22], $0x2000  }
0x31: {  	[sflag:s22] =	ssyncset.done $0x0  }
0x32: {  	[sflag:s22] =	ssyncadd.s32 $0xFFFFE000  }
0x33: {  	_ =	swait.ge [sflag:s22], $0x2000  }
0x34: {  	[sflag:s22] =	ssyncset.done $0x0  }
0x35: {  	s30 =	simm.s32 $0x200;
	[sflag:s22] =	ssyncadd.s32 $0xFFFFE000  }
0x36: {  	[tilespmem:s15], [sflag:$0x1] =	stream.indirect.gather [hbm4b:s8+s14], $0x40, s30, s14, $0xb8;
	[tilespmem:$0x1BE00] =	vst v63  }
0x37: {  	s30 =	simm.s32 $0x280  }
0x38: {  	[tilespmem:s16], [sflag:$0x1] =	stream.indirect.gather [hbm4b:s8+s14], $0x40, s30, s14, $0xb8;
	[tilespmem:$0x1BE00] =	vst v63  }
0x39: {  	_ =	swait.ge [sflag:s23], $0x2000  }
0x3a: {  	[sflag:s23] =	ssyncset.done $0x0  }
0x3b: {  	[sflag:s23] =	ssyncadd.s32 $0xFFFFE000  }
0x3c: {  	_ =	swait.ge [sflag:s23], $0x2000  }
0x3d: {  	[sflag:s23] =	ssyncset.done $0x0  }
0x3e: {  	s30 =	simm.s32 $0x5100;
	[sflag:s23] =	ssyncadd.s32 $0xFFFFE000  }
0x3f: {  	[spmem:s2] =	stream.indirect.scatter.add.f32 [tilespmem:s18], [sflag:$0x3], $0x40, s30, s14, $0xb8;
	[tilespmem:$0x1BE00] =	vst v63  }
0x40: {  	s30 =	simm.s32 $0x5180  }
0x41: {  	[spmem:s2] =	stream.indirect.scatter.add.f32 [tilespmem:s20], [sflag:$0x3], $0x40, s30, s14, $0xb8;
	[tilespmem:$0x1BE00] =	vst v63  }
0x42: {  	_ =	swait.ge [sflag:s22], $0x2000  }
0x43: {  	[sflag:s22] =	ssyncset.done $0x0  }
0x44: {  	[sflag:s22] =	ssyncadd.s32 $0xFFFFE000  }
0x45: {  	_ =	swait.ge [sflag:s22], $0x2000  }
0x46: {  	[sflag:s22] =	ssyncset.done $0x0  }
0x47: {  	s30 =	simm.s32 $0x300;
	[sflag:s22] =	ssyncadd.s32 $0xFFFFE000  }
0x48: {  	[tilespmem:s18], [sflag:$0x2] =	stream.indirect.gather [hbm4b:s8+s14], $0x40, s30, s14, $0xb8;
	[tilespmem:$0x1BE00] =	vst v63  }
0x49: {  	s31 =	simm.s32 $0x380;
	s30 =	simm.s32 $0x800  }
.LBB2_2:
0x4a: {  	[tilespmem:s20], [sflag:$0x2] =	stream.indirect.gather [hbm4b:s8+s14], $0x40, s31, s14, $0xb8;
	[tilespmem:$0x1BE00] =	vst v63  }
0x4b: {  	s31 =	smov.u32 s30  }
0x4c: {  	p0 =	sne.s32 s30, $0x13000;
	s30 =	sadd.s32 $0x800, s30;
	_ =	swait.ge [sflag:s21], $0x2000  }
0x4d: {  	[sflag:s21] =	ssyncset.done $0x0  }
0x4e: {  	[sflag:s21] =	ssyncadd.s32 $0xFFFFE000  }
0x4f: {  	_ =	swait.ge [sflag:s21], $0x2000  }
0x50: {  	s31 =	sshra.s32 s31, $0x2;
	[sflag:s21] =	ssyncset.done $0x0  }
0x51: {  	s0 =	sadd.s32 $0x5000, s31;
	[sflag:s21] =	ssyncadd.s32 $0xFFFFE000  }
0x52: {  	[spmem:s2] =	stream.indirect.scatter.add.f32 [tilespmem:s15], [sflag:$0x3], $0x40, s0, s14, $0xb8;
	[tilespmem:$0x1BE00] =	vst v63  }
0x53: {  	s0 =	sadd.s32 $0x5080, s31  }
0x54: {  	[spmem:s2] =	stream.indirect.scatter.add.f32 [tilespmem:s16], [sflag:$0x3], $0x40, s0, s14, $0xb8;
	[tilespmem:$0x1BE00] =	vst v63  }
0x55: {  	_ =	swait.ge [sflag:s22], $0x2000  }
0x56: {  	[sflag:s22] =	ssyncset.done $0x0  }
0x57: {  	[sflag:s22] =	ssyncadd.s32 $0xFFFFE000  }
0x58: {  	_ =	swait.ge [sflag:s22], $0x2000  }
0x59: {  	[sflag:s22] =	ssyncset.done $0x0  }
0x5a: {  	s0 =	sadd.s32 $0x200, s31;
	[sflag:s22] =	ssyncadd.s32 $0xFFFFE000  }
0x5b: {  	[tilespmem:s15], [sflag:$0x1] =	stream.indirect.gather [hbm4b:s8+s14], $0x40, s0, s14, $0xb8;
	[tilespmem:$0x1BE00] =	vst v63  }
0x5c: {  	s0 =	sadd.s32 $0x280, s31  }
0x5d: {  	[tilespmem:s16], [sflag:$0x1] =	stream.indirect.gather [hbm4b:s8+s14], $0x40, s0, s14, $0xb8;
	[tilespmem:$0x1BE00] =	vst v63  }
0x5e: {  	_ =	swait.ge [sflag:s23], $0x2000  }
0x5f: {  	[sflag:s23] =	ssyncset.done $0x0  }
0x60: {  	[sflag:s23] =	ssyncadd.s32 $0xFFFFE000  }
0x61: {  	_ =	swait.ge [sflag:s23], $0x2000  }
0x62: {  	[sflag:s23] =	ssyncset.done $0x0  }
0x63: {  	s0 =	sadd.s32 $0x5100, s31;
	[sflag:s23] =	ssyncadd.s32 $0xFFFFE000  }
0x64: {  	[spmem:s2] =	stream.indirect.scatter.add.f32 [tilespmem:s18], [sflag:$0x3], $0x40, s0, s14, $0xb8;
	[tilespmem:$0x1BE00] =	vst v63  }
0x65: {  	s0 =	sadd.s32 $0x5180, s31  }
0x66: {  	[spmem:s2] =	stream.indirect.scatter.add.f32 [tilespmem:s20], [sflag:$0x3], $0x40, s0, s14, $0xb8;
	[tilespmem:$0x1BE00] =	vst v63  }
0x67: {  	_ =	swait.ge [sflag:s22], $0x2000  }
0x68: {  	[sflag:s22] =	ssyncset.done $0x0  }
0x69: {  	[sflag:s22] =	ssyncadd.s32 $0xFFFFE000  }
.Ltmp0:
0x6a: {  	_ =	swait.ge [sflag:s22], $0x2000;
	(pc) =	sbr.rel @p0 .LBB2_2-.Ltmp0, $4  }
0x6b: {  	[sflag:s22] =	ssyncset.done $0x0  }
0x6c: {  	s0 =	sadd.s32 $0x300, s31;
	[sflag:s22] =	ssyncadd.s32 $0xFFFFE000  }
0x6d: {  	[tilespmem:s18], [sflag:$0x2] =	stream.indirect.gather [hbm4b:s8+s14], $0x40, s0, s14, $0xb8;
	[tilespmem:$0x1BE00] =	vst v63  }
0x6e: {  	s31 =	sadd.s32 $0x380, s31  }
0x6f: {  	[tilespmem:s20], [sflag:$0x2] =	stream.indirect.gather [hbm4b:s8+s14], $0x40, s31, s14, $0xb8;
	[tilespmem:$0x1BE00] =	vst v63  }
0x70: {  	_ =	swait.ge [sflag:s21], $0x2000  }
0x71: {  	[sflag:s21] =	ssyncset.done $0x0  }
0x72: {  	[sflag:s21] =	ssyncadd.s32 $0xFFFFE000  }
0x73: {  	_ =	swait.ge [sflag:s21], $0x2000  }
0x74: {  	[sflag:s21] =	ssyncset.done $0x0  }
0x75: {  	[sflag:s21] =	ssyncadd.s32 $0xFFFFE000  }
0x76: {  	[spmem:s2] =	stream.indirect.scatter.add.f32 [tilespmem:s15], [sflag:$0x3], $0x40, s24, s14, $0xb8;
	[tilespmem:$0x1BE00] =	vst v63  }
0x77: {  	_ = 	snop  }
0x78: {  	[spmem:s2] =	stream.indirect.scatter.add.f32 [tilespmem:s16], [sflag:$0x3], $0x40, s25, s14, $0xb8;
	[tilespmem:$0x1BE00] =	vst v63  }
0x79: {  	_ =	swait.ge [sflag:s22], $0x2000  }
0x7a: {  	[sflag:s22] =	ssyncset.done $0x0  }
0x7b: {  	[sflag:s22] =	ssyncadd.s32 $0xFFFFE000  }
0x7c: {  	_ =	swait.ge [sflag:s22], $0x2000  }
0x7d: {  	[sflag:s22] =	ssyncset.done $0x0  }
0x7e: {  	[sflag:s22] =	ssyncadd.s32 $0xFFFFE000  }
0x7f: {  	_ =	swait.ge [sflag:s23], $0x2000  }
0x80: {  	[sflag:s23] =	ssyncset.done $0x0  }
0x81: {  	[sflag:s23] =	ssyncadd.s32 $0xFFFFE000  }
0x82: {  	_ =	swait.ge [sflag:s23], $0x2000  }
0x83: {  	[sflag:s23] =	ssyncset.done $0x0  }
0x84: {  	[sflag:s23] =	ssyncadd.s32 $0xFFFFE000  }
0x85: {  	[spmem:s2] =	stream.indirect.scatter.add.f32 [tilespmem:s18], [sflag:$0x3], $0x40, s26, s14, $0xb8;
	[tilespmem:$0x1BE00] =	vst v63  }
0x86: {  	_ = 	snop  }
0x87: {  	[spmem:s2] =	stream.indirect.scatter.add.f32 [tilespmem:s20], [sflag:$0x3], $0x40, s28, s14, $0xb8;
	[tilespmem:$0x1BE00] =	vst v63  }
0x88: {  	_ =	swait.ge [sflag:s22], $0x2000  }
0x89: {  	[sflag:s22] =	ssyncset.done $0x0  }
0x8a: {  	[sflag:s22] =	ssyncadd.s32 $0xFFFFE000  }
0x8b: {  	_ =	swait.ge [sflag:s22], $0x2000  }
0x8c: {  	s29 =	sadd.s32 $0x1, s29;
	[sflag:s22] =	ssyncset.done $0x0  }
0x8d: {  	p0 =	sne.s32 s29, s10;
	[sflag:s22] =	ssyncadd.s32 $0xFFFFE000  }
.Ltmp1:
0x8e: {  	[bflag:$0x0] =	sbarrier.arrive $0xFFFF;
	(pc) =	sbr.rel @p0 .LBB2_1-.Ltmp1, $4  }
0x8f: {  	[hbm:s9], [sflag:s5] =	dma.local [spmem:s11], $0x13C0  }
0x90: {  	_ =	swait.ge [sflag:s12], $0x13C0  }
0x91: {  	[sflag:s12] =	ssyncset.done $0x0  }
0x92: {  	[sflag:s12] =	ssyncadd.s32 $0xFFFFEC40  }
0x93: {  	_ =	sfence.sel $0x180000  }
0x94: {  	[bflag:$0x0] =	sbarrier.arrive $0xFFFF  }
0x95: {  	_ =	strace $0x9000004A  }
0x96: {  	[bflag:$0x2] =	sbarrier.arrive $0xFFFF  }
0x97: {  	p0 =	sne.s32 s1, $0x0;
	s0 =	rddreg [dreg:$0x3]  }
0x98: {  	s0 =	sadd.s32 @!p0 $0x100000, s0  }
0x99: {  	[sflag:s0] =	ssyncadd.tile.s32 @!p0 $0x1;
	_ =	shalt  }
.Lfunc_end2:
_tile_overlayer_lowered:
.L_overlay_start_2:
0x9a: {  	(tag) =	ssettag $0x2  }
0x9b: {  	s0 =	rddreg [dreg:$0x0];
	s2 =	stileid.u32  }
0x9c: {  	s1 =	rddreg [dreg:$0x1];
	p0 =	sne.s32 s2, $0x0  }
0x9d: {  	s3 =	rddreg [dreg:$0x2];
	[bflag:$0x3] =	sbarrier.arrive $0xFFFF;
	s2 =	simm.s32 @!p0 $0x1C04  }
0x9e: {  	[timem:s3], [sflag:s2] =	dma.local @!p0 [hbm:s0], s1  }
0x9f: {  	s0 =	simm.s32 @!p0 $0x4  }
0xa0: {  	_ =	swait.ge @!p0 [sflag:s0], s1  }
0xa1: {  	s1 =	ssub.s32 @!p0 $0x0, s1;
	[sflag:s0] =	ssyncset.done @!p0 $0x0  }
0xa2: {  	[sflag:s0] =	ssyncadd.s32 @!p0 s1  }
0xa3: {  	[bflag:$0x3] =	sbarrier.arrive $0xFFFF  }
0xa4: {  	_ =	shalt  }

// kernel: seg_sum_cnt.3.cloned.1.call-start
scs
__scs_entry_jumppad:
0x0: {  	(pc) =	sbr.rel $0x88, $3  }
0x1: {  	(tag) =	ssettag $0x0;
	lr =	simm.s32 $0x1  }
0x2: {  	[smem:$0x3F99] =	sst lr;
	_ =	strace $0xD0000000  }
0x3: {  	_ = 	snop  }
0x4: {  	_ = 	snop  }
0x5: {  	_ = 	snop  }
0x6: {  	_ = 	snop  }
0x7: {  	_ = 	snop  }
__scs_overlays_trampoline_lowered:
0x8: {  	[smem:$0x3FA8] =	sst s0  }
0x9: {  	[smem:$0x3FA9] =	sst s1  }
0xa: {  	[smem:$0x3FAA] =	sst s2  }
0xb: {  	[smem:$0x3FAB] =	sst s3  }
0xc: {  	[smem:$0x3FAC] =	sst s4  }
0xd: {  	[smem:$0x3FAD] =	sst s5  }
0xe: {  	[smem:$0x3FAE] =	sst s6  }
0xf: {  	[smem:$0x3FAF] =	sst s7  }
0x10: {  	[smem:$0x3FB0] =	sst s8  }
0x11: {  	[smem:$0x3FB1] =	sst s9;
	s0 =	simm.s32 @!p0 $0x0  }
0x12: {  	s1 =	sld [smem:$0x3F97];
	s0 =	simm.s32 @p0 $0x1  }
0x13: {  	[smem:$0x3FB2] =	sst s0;
	s0 =	simm.s32 @!p1 $0x0  }
0x14: {  	s2 =	sld [smem:$0x3F96];
	s0 =	simm.s32 @p1 $0x1  }
0x15: {  	[smem:$0x3FB3] =	sst s0;
	s0 =	simm.s32 @!p2 $0x0  }
0x16: {  	s3 =	sld [smem:$0x3FDB];
	s0 =	simm.s32 @p2 $0x1  }
0x17: {  	s4 =	simm.s32 $0x1BF5;
	[smem:$0x3FB5] =	sst s0  }
0x18: {  	s0 =	sld [smem:$0x3F98];
	_ =	swait.ge [sflag:s4], $0x0  }
0x19: {  	s7 =	sld [smem:$0x3F99]  }
0x1a: {  	s8 =	sadd.s32 $0xFFFFE003, lr  }
0x1b: {  	s9 =	sadd.s32 $0xFFFFFEF7, lr;
	s5 =	simm.s32 $0xFFFFFFFF;
	p2 =	slt.u32 s8, $0xFFFFF086  }
0x1c: {  	p1 =	slt.u32 s9, $0xF7A;
	s5 =	simm.s32 @!p2 $0x0  }
0x1d: {  	s5 =	simm.s32 @p1 $0x1;
	p0 =	seq.s32 s7, s2  }
0x1e: {  	s7 =	smul.u32 @!p0 $0xF7A, s2;
	p2 =	seq.s32 @!p0 s5, $0x0  }
0x1f: {  	s9 =	smul.u32 $0xF7A, s1;
	s8 =	simm.s32 @!p0 $0x1BF5;
	p2 =	por !p2, p0  }
0x20: {  	[sflag:s8] =	ssyncset.s32 @!p0 $0xFFFFF086;
	s6 =	sadd.s32 @!p0 s3, s7;
	s7 =	simm.s32 @!p0 $0x108  }
0x21: {  	s3 =	sadd.s32 s3, s9;
	s6 =	sadd.s32 @!p0 $0x88, s6;
	s7 =	simm.s32 @p2 $0x1082  }
0x22: {  	[simem:s7], [sflag:s8] =	dma.local @!p0 [hbm:s6], $0xF7A  }
0x23: {  	s9 =	sor.u32 $0xD0000000, s2;
	s6 =	simm.s32 $0x108;
	_ =	swait.ge @!p0 [sflag:s8], $0x0  }
0x24: {  	s3 =	sadd.s32 $0x88, s3;
	s6 =	simm.s32 @!p1 $0x1082;
	[sflag:s4] =	ssyncset.s32 $0xFFFFF086  }
0x25: {  	[simem:s6], [sflag:s4] =	dma.local [hbm:s3], $0xF7A  }
0x26: {  	[smem:$0x3F99] =	sst s1;
	(tag) =	ssettag s2;
	_ =	strace s9  }
0x27: {  	s1 =	sld [smem:$0x3FA9]  }
0x28: {  	s2 =	sld [smem:$0x3FAA]  }
0x29: {  	s4 =	sld [smem:$0x3FAC]  }
0x2a: {  	p0 =	seq.s32 s5, $0x0;
	s5 =	sld [smem:$0x3FAD]  }
0x2b: {  	s6 =	sld [smem:$0x3FAE]  }
0x2c: {  	s7 =	sld [smem:$0x3FAF]  }
0x2d: {  	s3 =	simm.s32 $0x108;
	s8 =	sld [smem:$0x3FB0]  }
0x2e: {  	s3 =	simm.s32 @!p0 $0x1082;
	s9 =	sld [smem:$0x3FB1]  }
0x2f: {  	lr =	sadd.s32 s0, s3;
	s0 =	sld [smem:$0x3FA8]  }
0x30: {  	s3 =	sld [smem:$0x3FAB]  }
0x31: {  	[smem:$0x3FB4] =	sst s10  }
0x32: {  	s10 =	sld [smem:$0x3FB2];
	_ =	sdelay $0x3  }
0x33: {  	p0 =	seq.s32 s10, $0x1;
	s10 =	sld [smem:$0x3FB4];
	_ =	sdelay $0x3  }
0x34: {  	[smem:$0x3FB4] =	sst s10  }
0x35: {  	s10 =	sld [smem:$0x3FB3];
	_ =	sdelay $0x3  }
0x36: {  	p1 =	seq.s32 s10, $0x1;
	s10 =	sld [smem:$0x3FB4];
	_ =	sdelay $0x3  }
0x37: {  	[smem:$0x3FB4] =	sst s10  }
0x38: {  	s10 =	sld [smem:$0x3FB5]  }
0x39: {  	_ = 	snop;
	(pc) =	sbr.ind lr, $3  }
0x3a: {  	_ = 	snop  }
0x3b: {  	_ = 	snop  }
0x3c: {  	p2 =	seq.s32 s10, $0x1;
	s10 =	sld [smem:$0x3FB4]  }
0x3d: {  	_ =	shalt  }
0x3e: {  	_ =	shalt  }
0x3f: {  	_ =	shalt  }
0x40: {  	_ =	shalt  }
0x41: {  	_ =	shalt  }
0x42: {  	_ =	shalt  }
0x43: {  	_ =	shalt  }
0x44: {  	_ =	shalt  }
0x45: {  	_ =	shalt  }
0x46: {  	_ =	shalt  }
0x47: {  	_ =	shalt  }
0x48: {  	_ =	shalt  }
0x49: {  	_ =	shalt  }
0x4a: {  	_ =	shalt  }
0x4b: {  	_ =	shalt  }
0x4c: {  	_ =	shalt  }
0x4d: {  	_ =	shalt  }
0x4e: {  	_ =	shalt  }
0x4f: {  	_ =	shalt  }
0x50: {  	_ =	shalt  }
0x51: {  	_ =	shalt  }
0x52: {  	_ =	shalt  }
0x53: {  	_ =	shalt  }
0x54: {  	_ =	shalt  }
0x55: {  	_ =	shalt  }
0x56: {  	_ =	shalt  }
0x57: {  	_ =	shalt  }
0x58: {  	_ =	shalt  }
0x59: {  	_ =	shalt  }
0x5a: {  	_ =	shalt  }
0x5b: {  	_ =	shalt  }
0x5c: {  	_ =	shalt  }
0x5d: {  	_ =	shalt  }
0x5e: {  	_ =	shalt  }
0x5f: {  	_ =	shalt  }
0x60: {  	_ =	shalt  }
0x61: {  	_ =	shalt  }
0x62: {  	_ =	shalt  }
0x63: {  	_ =	shalt  }
0x64: {  	_ =	shalt  }
0x65: {  	_ =	shalt  }
0x66: {  	_ =	shalt  }
0x67: {  	_ =	shalt  }
0x68: {  	_ =	shalt  }
0x69: {  	_ =	shalt  }
0x6a: {  	_ =	shalt  }
0x6b: {  	_ =	shalt  }
0x6c: {  	_ =	shalt  }
0x6d: {  	_ =	shalt  }
0x6e: {  	_ =	shalt  }
0x6f: {  	_ =	shalt  }
0x70: {  	_ =	shalt  }
0x71: {  	_ =	shalt  }
0x72: {  	_ =	shalt  }
0x73: {  	_ =	shalt  }
0x74: {  	_ =	shalt  }
0x75: {  	_ =	shalt  }
0x76: {  	_ =	shalt  }
0x77: {  	_ =	shalt  }
0x78: {  	_ =	shalt  }
0x79: {  	_ =	shalt  }
0x7a: {  	_ =	shalt  }
0x7b: {  	_ =	shalt  }
0x7c: {  	_ =	shalt  }
0x7d: {  	_ =	shalt  }
0x7e: {  	_ =	shalt  }
0x7f: {  	_ =	shalt  }
0x80: {  	_ =	shalt  }
0x81: {  	_ =	shalt  }
0x82: {  	_ =	shalt  }
0x83: {  	_ =	shalt  }
0x84: {  	_ =	shalt  }
0x85: {  	_ =	shalt  }
0x86: {  	_ =	shalt  }
0x87: {  	_ =	shalt  }
.Lfunc_end0:
.L_simem_size_0:
called_computation_lowered:
.L_overlay_start_0:
0x88: {  	s2 =	sld [smem:$0x3FD9]  }
0x89: {  	s3 =	sld [smem:$0x3FFE];
	_ =	sdelay $0x1  }
0x8a: {  	s1 =	srdreg.scid  }
0x8b: {  	s0 =	sand.u32 $0x1, s1  }
0x8c: {  	s17 =	sshll.u32 s0, $0xA;
	s2 =	sadd.s32 s3, s2  }
0x8d: {  	s2 =	sadd.s32 s2, s17  }
0x8e: {  	[smem:$0x3FC0] =	sst s2  }
0x8f: {  	_ = 	snop  }
0x90: {  	s2 =	sld [smem:$0x3FD0];
	(tm) =	ssettm $0x1  }
0x91: {  	s18 =	sld [smem:$0x3FFB];
	_ =	sdelay $0x3  }
0x92: {  	_ =	strace s18  }
0x93: {  	s3 =	sld [smem:$0x3FFC];
	_ =	sdelay $0x3  }
0x94: {  	_ =	strace s3  }
0x95: {  	s3 =	sld [smem:$0x3FFD];
	_ =	sdelay $0x3  }
0x96: {  	_ =	strace s3  }
0x97: {  	_ =	strace $0x8FFFFFFF  }
0x98: {  	s19 =	sld [smem:$0x3FDB];
	_ =	sdelay $0x1  }
0x99: {  	s4 =	simm.s32 $_scs_section_size  }
0x9a: {  	s5 =	simm.s32 $_size__tile_overlayer_lowered;
	s6 =	simm.s32 $_tile_overlayer_lowered  }
0x9b: {  	s22 =	simm.s32 $0x1BFF;
	s21 =	sshll.u32 s6, $0x1;
	s3 =	sadd.s32 s4, s19  }
0x9c: {  	s7 =	simm.s32 $0x0;
	s20 =	sshll.u32 s5, $0x1;
	s5 =	sadd.s32 s21, s3  }
0x9d: {  	[timem:s7], [sflag:s22] =	dma.local [hbm:s5], s20  }
0x9e: {  	_ =	swait.ge [sflag:s22], s20  }
0x9f: {  	s4 =	ssub.s32 $0x0, s20;
	[sflag:s22] =	ssyncset.done $0x0  }
0xa0: {  	[sflag:s22] =	ssyncadd.s32 s4;
	_ =	sdelay $0x1  }
0xa1: {  	s23 =	simm.s32 $0x1B8B  }
0xa2: {  	_ =	swait.ge [sflag:s23], $0x1  }
0xa3: {  	[sflag:s23] =	ssyncset.done $0x0  }
0xa4: {  	s25 =	simm.s32 $0x1B8E;
	s24 =	sld [smem:$0x3FFE];
	[sflag:s23] =	ssyncadd.s32 $0xFFFFFFFF  }
0xa5: {  	s26 =	simm.s32 $execute0_lowered;
	[smem:$0x3FD2] =	sst s25  }
0xa6: {  	s5 =	sshll.u32 s26, $0x1;
	_ =	strace $0x80000046;
	[dreg:$0x1] =	wrdreg $0xFFFFFFFF  }
0xa7: {  	s28 =	simm.s32 $_size_execute0_lowered;
	s3 =	sadd.s32 s3, s5;
	[dreg:$0x0] =	wrdreg $0x0  }
0xa8: {  	s5 =	sshll.u32 s28, $0x1;
	[dreg:$0x2] =	wrdreg s3  }
0xa9: {  	[dreg:$0x3] =	wrdreg s5  }
0xaa: {  	[dreg:$0x4] =	wrdreg $0xC0  }
0xab: {  	_ =	task [dreg:s7], $0x5FFFF  }
0xac: {  	[dreg:$0x1] =	wrdreg $0xFFFFFFFF  }
0xad: {  	[dreg:$0x0] =	wrdreg $0x60  }
0xae: {  	[dreg:$0x2] =	wrdreg s2  }
0xaf: {  	[dreg:$0x3] =	wrdreg s24  }
0xb0: {  	[dreg:$0x4] =	wrdreg $0x128000  }
0xb1: {  	[dreg:$0x5] =	wrdreg $0x1C6000  }
0xb2: {  	[dreg:$0x6] =	wrdreg $0x9  }
0xb3: {  	_ =	task.clear_ibuf [dreg:s7], $0x7FFFF;
	_ =	strace $0x90000046  }
0xb4: {  	s29 =	simm.s32 $0x9;
	_ =	strace $0x80000048  }
0xb5: {  	_ =	swait.ge [sflag:s29], $0x1  }
0xb6: {  	[sflag:s29] =	ssyncadd.s32 $0xFFFFFFFF  }
0xb7: {  	_ =	strace $0x90000048  }
0xb8: {  	_ =	sfence  }
0xb9: {  	s30 =	sld [smem:$0x0];
	_ =	sdelay $0x2  }
0xba: {  	s31 =	sshll.u32 s1, $0xD;
	s1 =	sshrl.u32 s1, $0x2  }
0xbb: {  	s3 =	sand.u32 $0x4000, s31;
	s1 =	sadd.s32 s1, s30  }
0xbc: {  	s0 =	sor.u32 s3, s0;
	s1 =	sshll.u32 s1, $0x11  }
0xbd: {  	s0 =	sor.u32 s1, s0  }
0xbe: {  	s0 =	sadd.s32 $0x8F2B, s0  }
0xbf: {  	[sflag:s0] =	ssyncadd.remote.s32 $0x1  }
0xc0: {  	_ =	sfence.sel $0xFFFF  }
0xc1: {  	[dreg:$0x0] =	wrdreg $0xFFFFFFFF;
	(pc) =	sbr.abs _section_cstart, $3  }
0xc2: {  	[dreg:$0x1] =	wrdreg $0xFFFFFFFF  }
0xc3: {  	_ =	task.clear_ibuf [dreg:s7], $0x2FFFF;
	_ =	strace $0x9FFFFFFF  }
0xc4: {  	(tm) =	ssettm $0x7FFFFFFF  }
0xc5: {  	_ =	shalt  }
tec
execute0_lowered:
.L_overlay_start_1:
0x0: {  	(tag) =	ssettag $0x1  }
0x1: {  	s0 =	rddreg [dreg:$0x0]  }
0x2: {  	s2 =	rddreg [dreg:$0x1]  }
0x3: {  	s1 =	rddreg [dreg:$0x2];
	s7 =	stileid.u32  }
0x4: {  	s4 =	srdreg.scid;
	s3 =	rddreg [dreg:$0x3];
	s20 =	simm.s32 $0x80  }
0x5: {  	s21 =	simm.s32 $0xA000;
	s28 =	simm.s32 $0x1;
	s29 =	simm.s32 $0x3  }
0x6: {  	s30 =	simm.s32 $0x2;
	s19 =	simm.s32 $0x0;
	s5 =	smul.u32 $0x5000, s7  }
0x7: {  	s6 =	sand.u32 $0x1, s4;
	s8 =	smul.u32 $0x9E00, s7;
	s4 =	simm.s32 $0x0  }
0x8: {  	s10 =	smul.u32 $0x2780, s7;
	s12 =	sadd.s32 $0x16C00, s2;
	s22 =	sadd.s32 $0x16600, s2  }
0x9: {  	s23 =	sadd.s32 $0x16400, s2;
	s25 =	sshll.u32 s7, $0x6;
	s9 =	smul.u32 $0x9E000, s6  }
0xa: {  	[smem:$0x7FF] =	sst s4;
	s11 =	smul.u32 $0x27800, s6;
	s24 =	ssub.s32 $0x2, s6  }
0xb: {  	s26 =	smul.u32 $0x13880, s6;
	_ =	strace $0x80000047;
	[dreg:$0x5] =	wrdreg s12  }
0xc: {  	p0 =	sne.s32 s6, $0x0;
	p1 =	seq.s32 s6, $0x0;
	[dreg:$0x6] =	wrdreg s22  }
0xd: {  	s5 =	sshrl.u32 s5, $0x3;
	[dreg:$0x7] =	wrdreg s23;
	s13 =	sshrl.u32 s24, $0x1  }
0xe: {  	s16 =	sadd.s32 s8, s1;
	s17 =	sadd.s32 s10, s3;
	s22 =	simm.s32 $0xC000  }
0xf: {  	s5 =	sadd.s32 s5, s2;
	s9 =	sadd.s32 s8, s9;
	s11 =	sadd.s32 s10, s11  }
0x10: {  	s15 =	ssub.s32 s24, s13;
	s8 =	sor.u32 $0x1C05, s25;
	s17 =	sshrl.u32 s17, $0x3  }
0x11: {  	s24 =	simm.s32 $0xE000;
	s9 =	sshrl.u32 s9, $0x3;
	s11 =	sshrl.u32 s11, $0x3  }
0x12: {  	s31 =	sadd.s32 $0x2400, s5;
	s10 =	sadd.s32 $0xC400, s5;
	s14 =	sadd.s32 s9, s2  }
0x13: {  	s2 =	sadd.s32 s11, s2;
	[dreg:$0x8] =	wrdreg s31;
	s11 =	sadd.s32 s0, s26  }
0x14: {  	s26 =	simm.s32 $0x10000;
	s12 =	sadd.s32 $0x18000, s14;
	s13 =	sadd.s32 $0x3F800, s2  }
0x15: {  	s14 =	smax.u32 s15, $0x1;
	s15 =	sshrl.u32 s16, $0x3;
	s16 =	simm.s32 $0x5  }
.LBB2_1:
0x16: {  	s0 =	rddreg [dreg:$0x5]  }
0x17: {  	[spmem:s15], [sflag:s8] =	dma.local [hbm:s0], $0x13C0  }
0x18: {  	_ =	swait.ge [sflag:s16], $0x13C0  }
0x19: {  	[sflag:s16] =	ssyncset.done $0x0  }
0x1a: {  	s9 =	rddreg [dreg:$0x6];
	[sflag:s16] =	ssyncadd.s32 $0xFFFFEC40  }
0x1b: {  	[spmem:s17], [sflag:s8] =	dma.local [hbm:s9], $0x4F0  }
0x1c: {  	_ =	swait.ge [sflag:s16], $0x4F0  }
0x1d: {  	[sflag:s16] =	ssyncset.done $0x0  }
0x1e: {  	s2 =	simm.s32 $0x12000;
	s18 =	rddreg [dreg:$0x7];
	[sflag:s16] =	ssyncadd.s32 $0xFFFFFB10  }
0x1f: {  	[tilespmem:s2], [sflag:$0x5] =	stream.linear.gather [hbm4b:s18+s4], $0x800, $0x38;
	[tilespmem:$0x1ED80] =	vst v63  }
0x20: {  	_ =	swait.ge [sflag:s16], $0x800  }
0x21: {  	[sflag:s16] =	ssyncset.done $0x0  }
0x22: {  	s23 =	rddreg [dreg:$0x8];
	[sflag:s16] =	ssyncadd.s32 $0xFFFFF800  }
0x23: {  	[tilespmem:s4], [sflag:$0x5] =	stream.linear.gather [hbm4b:s23+s4], $0x5000, $0x38;
	[tilespmem:$0x1ED80] =	vst v63  }
0x24: {  	_ =	swait.ge [sflag:s16], $0x5000  }
0x25: {  	[sflag:s16] =	ssyncset.done $0x0  }
0x26: {  	s25 =	simm.s32 $0x5000;
	[sflag:s16] =	ssyncadd.s32 $0xFFFFB000  }
0x27: {  	[tilespmem:s25], [sflag:$0x5] =	stream.linear.gather [hbm4b:s10+s4], $0x5000, $0x38;
	[tilespmem:$0x1ED80] =	vst v63  }
0x28: {  	_ =	swait.ge [sflag:s16], $0x5000  }
0x29: {  	[sflag:s16] =	ssyncset.done $0x0  }
0x2a: {  	[sflag:s16] =	ssyncadd.s32 $0xFFFFB000  }
0x2b: {  	[bflag:$0x0] =	sbarrier.arrive $0xFFFF  }
0x2c: {  	[tilespmem:s21], [sflag:$0x1] =	stream.indirect.gather [hbm4b:s11+s20], $0x40, s4, s20, $0xb8;
	[tilespmem:$0x1ED80] =	vst v63  }
0x2d: {  	_ = 	snop  }
0x2e: {  	[tilespmem:s22], [sflag:$0x1] =	stream.indirect.gather [hbm4b:s11+s20], $0x40, s20, s20, $0xb8;
	[tilespmem:$0x1ED80] =	vst v63  }
0x2f: {  	s2 =	simm.s32 $0x100  }
0x30: {  	[tilespmem:s24], [sflag:$0x2] =	stream.indirect.gather [hbm4b:s11+s20], $0x40, s2, s20, $0xb8;
	[tilespmem:$0x1ED80] =	vst v63  }
0x31: {  	s5 =	simm.s32 $0x180  }
0x32: {  	[tilespmem:s26], [sflag:$0x2] =	stream.indirect.gather [hbm4b:s11+s20], $0x40, s5, s20, $0xb8;
	[tilespmem:$0x1ED80] =	vst v63  }
0x33: {  	_ =	swait.ge [sflag:s28], $0x2000  }
0x34: {  	[sflag:s28] =	ssyncset.done $0x0  }
0x35: {  	[sflag:s28] =	ssyncadd.s32 $0xFFFFE000  }
0x36: {  	_ =	swait.ge [sflag:s28], $0x2000  }
0x37: {  	[sflag:s28] =	ssyncset.done $0x0  }
0x38: {  	s0 =	simm.s32 $0x5000;
	[sflag:s28] =	ssyncadd.s32 $0xFFFFE000  }
0x39: {  	[spmem:s1] =	stream.indirect.scatter.add.f32 [tilespmem:s21], [sflag:$0x3], $0x40, s0, s20, $0xb8;
	[tilespmem:$0x1ED80] =	vst v63  }
0x3a: {  	s2 =	simm.s32 $0x5080  }
0x3b: {  	[spmem:s1] =	stream.indirect.scatter.add.f32 [tilespmem:s22], [sflag:$0x3], $0x40, s2, s20, $0xb8;
	[tilespmem:$0x1ED80] =	vst v63  }
0x3c: {  	s31 =	simm.s32 @!p0 $0x12000;
	s25 =	simm.s32 @!p0 $0x80  }
0x3d: {  	[spmem:s3] =	stream.indirect.scatter.add.f32 @!p0 [tilespmem:s31], [sflag:$0x4], $0x10, s0, s25, $0xb8;
	[tilespmem:$0x1ED80] =	vst v63  }
0x3e: {  	s23 =	simm.s32 @!p0 $0x4  }
0x3f: {  	[spmem:s3] =	stream.indirect.scatter.add.f32 @!p0 [tilespmem:s31], [sflag:$0x4], $0x10, s2, s25, $0xb8;
	[tilespmem:$0x1ED80] =	vst v63  }
0x40: {  	_ =	swait.ge @!p0 [sflag:s23], $0x800  }
0x41: {  	[sflag:s23] =	ssyncset.done @!p0 $0x0  }
0x42: {  	[sflag:s23] =	ssyncadd.s32 @!p0 $0xFFFFF800  }
0x43: {  	_ =	swait.ge @!p0 [sflag:s23], $0x800  }
0x44: {  	[sflag:s23] =	ssyncset.done @!p0 $0x0  }
0x45: {  	[sflag:s23] =	ssyncadd.s32 @!p0 $0xFFFFF800  }
0x46: {  	_ =	swait.ge [sflag:s29], $0x2000  }
0x47: {  	[sflag:s29] =	ssyncset.done $0x0  }
0x48: {  	[sflag:s29] =	ssyncadd.s32 $0xFFFFE000  }
0x49: {  	_ =	swait.ge [sflag:s29], $0x2000  }
0x4a: {  	[sflag:s29] =	ssyncset.done $0x0  }
0x4b: {  	s6 =	simm.s32 $0x200;
	[sflag:s29] =	ssyncadd.s32 $0xFFFFE000  }
0x4c: {  	[tilespmem:s21], [sflag:$0x1] =	stream.indirect.gather [hbm4b:s11+s20], $0x40, s6, s20, $0xb8;
	[tilespmem:$0x1ED80] =	vst v63  }
0x4d: {  	s7 =	simm.s32 $0x280  }
0x4e: {  	[tilespmem:s22], [sflag:$0x1] =	stream.indirect.gather [hbm4b:s11+s20], $0x40, s7, s20, $0xb8;
	[tilespmem:$0x1ED80] =	vst v63  }
0x4f: {  	_ =	swait.ge [sflag:s30], $0x2000  }
0x50: {  	[sflag:s30] =	ssyncset.done $0x0  }
0x51: {  	[sflag:s30] =	ssyncadd.s32 $0xFFFFE000  }
0x52: {  	_ =	swait.ge [sflag:s30], $0x2000  }
0x53: {  	[sflag:s30] =	ssyncset.done $0x0  }
0x54: {  	s2 =	simm.s32 $0x5100;
	[sflag:s30] =	ssyncadd.s32 $0xFFFFE000  }
0x55: {  	[spmem:s1] =	stream.indirect.scatter.add.f32 [tilespmem:s24], [sflag:$0x3], $0x40, s2, s20, $0xb8;
	[tilespmem:$0x1ED80] =	vst v63  }
0x56: {  	s5 =	simm.s32 $0x5180  }
0x57: {  	[spmem:s1] =	stream.indirect.scatter.add.f32 [tilespmem:s26], [sflag:$0x3], $0x40, s5, s20, $0xb8;
	[tilespmem:$0x1ED80] =	vst v63  }
0x58: {  	s18 =	simm.s32 @!p1 $0x12000;
	s0 =	simm.s32 @!p1 $0x80  }
0x59: {  	[spmem:s3] =	stream.indirect.scatter.add.f32 @!p1 [tilespmem:s18], [sflag:$0x4], $0x10, s2, s0, $0xb8;
	[tilespmem:$0x1ED80] =	vst v63  }
0x5a: {  	s2 =	simm.s32 @!p1 $0x4  }
0x5b: {  	[spmem:s3] =	stream.indirect.scatter.add.f32 @!p1 [tilespmem:s18], [sflag:$0x4], $0x10, s5, s0, $0xb8;
	[tilespmem:$0x1ED80] =	vst v63  }
0x5c: {  	_ =	swait.ge @!p1 [sflag:s2], $0x800  }
0x5d: {  	[sflag:s2] =	ssyncset.done @!p1 $0x0  }
0x5e: {  	[sflag:s2] =	ssyncadd.s32 @!p1 $0xFFFFF800  }
0x5f: {  	_ =	swait.ge @!p1 [sflag:s2], $0x800  }
0x60: {  	[sflag:s2] =	ssyncset.done @!p1 $0x0  }
0x61: {  	[sflag:s2] =	ssyncadd.s32 @!p1 $0xFFFFF800  }
0x62: {  	_ =	swait.ge [sflag:s29], $0x2000  }
0x63: {  	[sflag:s29] =	ssyncset.done $0x0  }
0x64: {  	[sflag:s29] =	ssyncadd.s32 $0xFFFFE000  }
0x65: {  	_ =	swait.ge [sflag:s29], $0x2000  }
0x66: {  	s9 =	simm.s32 $0x300;
	[sflag:s29] =	ssyncset.done $0x0  }
0x67: {  	s6 =	simm.s32 $0x380;
	s5 =	simm.s32 $0x800;
	[sflag:s29] =	ssyncadd.s32 $0xFFFFE000  }
0x68: {  	[tilespmem:s24], [sflag:$0x2] =	stream.indirect.gather [hbm4b:s11+s20], $0x40, s9, s20, $0xb8;
	[tilespmem:$0x1ED80] =	vst v63  }
.LBB2_2:
0x69: {  	[tilespmem:s26], [sflag:$0x2] =	stream.indirect.gather [hbm4b:s11+s20], $0x40, s6, s20, $0xb8;
	[tilespmem:$0x1ED80] =	vst v63  }
0x6a: {  	s6 =	smov.u32 s5;
	s5 =	sadd.s32 $0x800, s5;
	_ =	swait.ge [sflag:s28], $0x2000  }
0x6b: {  	p2 =	sne.s32 s5, $0x13800;
	[sflag:s28] =	ssyncset.done $0x0  }
0x6c: {  	[sflag:s28] =	ssyncadd.s32 $0xFFFFE000  }
0x6d: {  	_ =	swait.ge [sflag:s28], $0x2000  }
0x6e: {  	s6 =	sshra.s32 s6, $0x2;
	[sflag:s28] =	ssyncset.done $0x0  }
0x6f: {  	s7 =	sadd.s32 $0x5000, s6;
	[sflag:s28] =	ssyncadd.s32 $0xFFFFE000  }
0x70: {  	[spmem:s1] =	stream.indirect.scatter.add.f32 [tilespmem:s21], [sflag:$0x3], $0x40, s7, s20, $0xb8;
	[tilespmem:$0x1ED80] =	vst v63  }
0x71: {  	s9 =	sadd.s32 $0x5080, s6  }
0x72: {  	[spmem:s1] =	stream.indirect.scatter.add.f32 [tilespmem:s22], [sflag:$0x3], $0x40, s9, s20, $0xb8;
	[tilespmem:$0x1ED80] =	vst v63  }
0x73: {  	_ = 	snop  }
0x74: {  	[spmem:s3] =	stream.indirect.scatter.add.f32 @!p0 [tilespmem:s31], [sflag:$0x4], $0x10, s7, s25, $0xb8;
	[tilespmem:$0x1ED80] =	vst v63  }
0x75: {  	_ = 	snop  }
0x76: {  	[spmem:s3] =	stream.indirect.scatter.add.f32 @!p0 [tilespmem:s31], [sflag:$0x4], $0x10, s9, s25, $0xb8;
	[tilespmem:$0x1ED80] =	vst v63  }
0x77: {  	_ =	swait.ge @!p0 [sflag:s23], $0x800  }
0x78: {  	[sflag:s23] =	ssyncset.done @!p0 $0x0  }
0x79: {  	[sflag:s23] =	ssyncadd.s32 @!p0 $0xFFFFF800  }
0x7a: {  	_ =	swait.ge @!p0 [sflag:s23], $0x800  }
0x7b: {  	[sflag:s23] =	ssyncset.done @!p0 $0x0  }
0x7c: {  	[sflag:s23] =	ssyncadd.s32 @!p0 $0xFFFFF800  }
0x7d: {  	_ =	swait.ge [sflag:s29], $0x2000  }
0x7e: {  	[sflag:s29] =	ssyncset.done $0x0  }
0x7f: {  	[sflag:s29] =	ssyncadd.s32 $0xFFFFE000  }
0x80: {  	_ =	swait.ge [sflag:s29], $0x2000  }
0x81: {  	[sflag:s29] =	ssyncset.done $0x0  }
0x82: {  	s7 =	sadd.s32 $0x200, s6;
	[sflag:s29] =	ssyncadd.s32 $0xFFFFE000  }
0x83: {  	[tilespmem:s21], [sflag:$0x1] =	stream.indirect.gather [hbm4b:s11+s20], $0x40, s7, s20, $0xb8;
	[tilespmem:$0x1ED80] =	vst v63  }
0x84: {  	s7 =	sadd.s32 $0x280, s6  }
0x85: {  	[tilespmem:s22], [sflag:$0x1] =	stream.indirect.gather [hbm4b:s11+s20], $0x40, s7, s20, $0xb8;
	[tilespmem:$0x1ED80] =	vst v63  }
0x86: {  	_ =	swait.ge [sflag:s30], $0x2000  }
0x87: {  	[sflag:s30] =	ssyncset.done $0x0  }
0x88: {  	[sflag:s30] =	ssyncadd.s32 $0xFFFFE000  }
0x89: {  	_ =	swait.ge [sflag:s30], $0x2000  }
0x8a: {  	[sflag:s30] =	ssyncset.done $0x0  }
0x8b: {  	s7 =	sadd.s32 $0x5100, s6;
	[sflag:s30] =	ssyncadd.s32 $0xFFFFE000  }
0x8c: {  	[spmem:s1] =	stream.indirect.scatter.add.f32 [tilespmem:s24], [sflag:$0x3], $0x40, s7, s20, $0xb8;
	[tilespmem:$0x1ED80] =	vst v63  }
0x8d: {  	s9 =	sadd.s32 $0x5180, s6  }
0x8e: {  	[spmem:s1] =	stream.indirect.scatter.add.f32 [tilespmem:s26], [sflag:$0x3], $0x40, s9, s20, $0xb8;
	[tilespmem:$0x1ED80] =	vst v63  }
0x8f: {  	_ = 	snop  }
0x90: {  	[spmem:s3] =	stream.indirect.scatter.add.f32 @!p1 [tilespmem:s18], [sflag:$0x4], $0x10, s7, s0, $0xb8;
	[tilespmem:$0x1ED80] =	vst v63  }
0x91: {  	_ = 	snop  }
0x92: {  	[spmem:s3] =	stream.indirect.scatter.add.f32 @!p1 [tilespmem:s18], [sflag:$0x4], $0x10, s9, s0, $0xb8;
	[tilespmem:$0x1ED80] =	vst v63  }
0x93: {  	_ =	swait.ge @!p1 [sflag:s2], $0x800  }
0x94: {  	[sflag:s2] =	ssyncset.done @!p1 $0x0  }
0x95: {  	[sflag:s2] =	ssyncadd.s32 @!p1 $0xFFFFF800  }
0x96: {  	_ =	swait.ge @!p1 [sflag:s2], $0x800  }
0x97: {  	[sflag:s2] =	ssyncset.done @!p1 $0x0  }
0x98: {  	[sflag:s2] =	ssyncadd.s32 @!p1 $0xFFFFF800  }
0x99: {  	_ =	swait.ge [sflag:s29], $0x2000  }
0x9a: {  	[sflag:s29] =	ssyncset.done $0x0  }
0x9b: {  	[sflag:s29] =	ssyncadd.s32 $0xFFFFE000  }
.Ltmp0:
0x9c: {  	_ =	swait.ge [sflag:s29], $0x2000;
	(pc) =	sbr.rel @p2 .LBB2_2-.Ltmp0, $4  }
0x9d: {  	[sflag:s29] =	ssyncset.done $0x0  }
0x9e: {  	s7 =	sadd.s32 $0x300, s6;
	[sflag:s29] =	ssyncadd.s32 $0xFFFFE000  }
0x9f: {  	[tilespmem:s24], [sflag:$0x2] =	stream.indirect.gather [hbm4b:s11+s20], $0x40, s7, s20, $0xb8;
	[tilespmem:$0x1ED80] =	vst v63  }
0xa0: {  	s6 =	sadd.s32 $0x380, s6  }
0xa1: {  	[tilespmem:s26], [sflag:$0x2] =	stream.indirect.gather [hbm4b:s11+s20], $0x40, s6, s20, $0xb8;
	[tilespmem:$0x1ED80] =	vst v63  }
0xa2: {  	_ =	swait.ge [sflag:s28], $0x2000  }
0xa3: {  	[sflag:s28] =	ssyncset.done $0x0  }
0xa4: {  	[sflag:s28] =	ssyncadd.s32 $0xFFFFE000  }
0xa5: {  	_ =	swait.ge [sflag:s28], $0x2000  }
0xa6: {  	[sflag:s28] =	ssyncset.done $0x0  }
0xa7: {  	s5 =	simm.s32 $0x9E00;
	[sflag:s28] =	ssyncadd.s32 $0xFFFFE000  }
0xa8: {  	[spmem:s1] =	stream.indirect.scatter.add.f32 [tilespmem:s21], [sflag:$0x3], $0x40, s5, s20, $0xb8;
	[tilespmem:$0x1ED80] =	vst v63  }
0xa9: {  	s9 =	simm.s32 $0x9E80  }
0xaa: {  	[spmem:s1] =	stream.indirect.scatter.add.f32 [tilespmem:s22], [sflag:$0x3], $0x40, s9, s20, $0xb8;
	[tilespmem:$0x1ED80] =	vst v63  }
0xab: {  	s5 =	simm.s32 @!p0 $0x9E00  }
0xac: {  	[spmem:s3] =	stream.indirect.scatter.add.f32 @!p0 [tilespmem:s31], [sflag:$0x4], $0x10, s5, s25, $0xb8;
	[tilespmem:$0x1ED80] =	vst v63  }
0xad: {  	s5 =	simm.s32 @!p0 $0x9E80  }
0xae: {  	[spmem:s3] =	stream.indirect.scatter.add.f32 @!p0 [tilespmem:s31], [sflag:$0x4], $0x10, s5, s25, $0xb8;
	[tilespmem:$0x1ED80] =	vst v63  }
0xaf: {  	_ =	swait.ge @!p0 [sflag:s23], $0x800  }
0xb0: {  	[sflag:s23] =	ssyncset.done @!p0 $0x0  }
0xb1: {  	[sflag:s23] =	ssyncadd.s32 @!p0 $0xFFFFF800  }
0xb2: {  	_ =	swait.ge @!p0 [sflag:s23], $0x800  }
0xb3: {  	[sflag:s23] =	ssyncset.done @!p0 $0x0  }
0xb4: {  	[sflag:s23] =	ssyncadd.s32 @!p0 $0xFFFFF800  }
0xb5: {  	_ =	swait.ge [sflag:s29], $0x2000  }
0xb6: {  	[sflag:s29] =	ssyncset.done $0x0  }
0xb7: {  	[sflag:s29] =	ssyncadd.s32 $0xFFFFE000  }
0xb8: {  	_ =	swait.ge [sflag:s29], $0x2000  }
0xb9: {  	[sflag:s29] =	ssyncset.done $0x0  }
0xba: {  	[sflag:s29] =	ssyncadd.s32 $0xFFFFE000  }
0xbb: {  	_ =	swait.ge [sflag:s30], $0x2000  }
0xbc: {  	[sflag:s30] =	ssyncset.done $0x0  }
0xbd: {  	[sflag:s30] =	ssyncadd.s32 $0xFFFFE000  }
0xbe: {  	_ =	swait.ge [sflag:s30], $0x2000  }
0xbf: {  	[sflag:s30] =	ssyncset.done $0x0  }
0xc0: {  	s25 =	simm.s32 $0x9F00;
	[sflag:s30] =	ssyncadd.s32 $0xFFFFE000  }
0xc1: {  	[spmem:s1] =	stream.indirect.scatter.add.f32 [tilespmem:s24], [sflag:$0x3], $0x40, s25, s20, $0xb8;
	[tilespmem:$0x1ED80] =	vst v63  }
0xc2: {  	s31 =	simm.s32 $0x9F80  }
0xc3: {  	[spmem:s1] =	stream.indirect.scatter.add.f32 [tilespmem:s26], [sflag:$0x3], $0x40, s31, s20, $0xb8;
	[tilespmem:$0x1ED80] =	vst v63  }
0xc4: {  	s5 =	simm.s32 @!p1 $0x9F00  }
0xc5: {  	[spmem:s3] =	stream.indirect.scatter.add.f32 @!p1 [tilespmem:s18], [sflag:$0x4], $0x10, s5, s0, $0xb8;
	[tilespmem:$0x1ED80] =	vst v63  }
0xc6: {  	s5 =	simm.s32 @!p1 $0x9F80  }
0xc7: {  	[spmem:s3] =	stream.indirect.scatter.add.f32 @!p1 [tilespmem:s18], [sflag:$0x4], $0x10, s5, s0, $0xb8;
	[tilespmem:$0x1ED80] =	vst v63  }
0xc8: {  	_ =	swait.ge @!p1 [sflag:s2], $0x800  }
0xc9: {  	[sflag:s2] =	ssyncset.done @!p1 $0x0  }
0xca: {  	[sflag:s2] =	ssyncadd.s32 @!p1 $0xFFFFF800  }
0xcb: {  	_ =	swait.ge @!p1 [sflag:s2], $0x800  }
0xcc: {  	[sflag:s2] =	ssyncset.done @!p1 $0x0  }
0xcd: {  	[sflag:s2] =	ssyncadd.s32 @!p1 $0xFFFFF800  }
0xce: {  	_ =	swait.ge [sflag:s29], $0x2000  }
0xcf: {  	[sflag:s29] =	ssyncset.done $0x0  }
0xd0: {  	[sflag:s29] =	ssyncadd.s32 $0xFFFFE000  }
0xd1: {  	_ =	swait.ge [sflag:s29], $0x2000  }
0xd2: {  	[sflag:s29] =	ssyncset.done $0x0  }
0xd3: {  	[sflag:s29] =	ssyncadd.s32 $0xFFFFE000  }
0xd4: {  	[bflag:$0x0] =	sbarrier.arrive $0xFFFF  }
0xd5: {  	[hbm:s12], [sflag:s8] =	dma.local [spmem:s15], $0x13C0  }
0xd6: {  	s19 =	sadd.s32 $0x1, s19;
	_ =	swait.ge [sflag:s16], $0x13C0  }
0xd7: {  	p2 =	sne.s32 s19, s14;
	[sflag:s16] =	ssyncset.done $0x0  }
.Ltmp1:
0xd8: {  	[sflag:s16] =	ssyncadd.s32 $0xFFFFEC40;
	(pc) =	sbr.rel @p2 .LBB2_1-.Ltmp1, $4  }
0xd9: {  	[hbm:s13], [sflag:s8] =	dma.local [spmem:s17], $0x4F0  }
0xda: {  	_ =	swait.ge [sflag:s16], $0x4F0  }
0xdb: {  	[sflag:s16] =	ssyncset.done $0x0  }
0xdc: {  	[sflag:s16] =	ssyncadd.s32 $0xFFFFFB10  }
0xdd: {  	_ =	sfence.sel $0x180000  }
0xde: {  	[bflag:$0x0] =	sbarrier.arrive $0xFFFF  }
0xdf: {  	_ =	strace $0x90000047  }
0xe0: {  	s0 =	stileid.u32;
	[bflag:$0x2] =	sbarrier.arrive $0xFFFF  }
0xe1: {  	p0 =	sne.s32 s0, $0x0;
	s0 =	rddreg [dreg:$0x4]  }
0xe2: {  	s0 =	sadd.s32 @!p0 $0x100000, s0  }
0xe3: {  	[sflag:s0] =	ssyncadd.tile.s32 @!p0 $0x1;
	_ =	shalt  }
.Lfunc_end2:
_tile_overlayer_lowered:
.L_overlay_start_2:
0xe4: {  	(tag) =	ssettag $0x2  }
0xe5: {  	s0 =	rddreg [dreg:$0x0];
	s2 =	stileid.u32  }
0xe6: {  	s1 =	rddreg [dreg:$0x1];
	p0 =	sne.s32 s2, $0x0  }
0xe7: {  	s3 =	rddreg [dreg:$0x2];
	[bflag:$0x3] =	sbarrier.arrive $0xFFFF;
	s2 =	simm.s32 @!p0 $0x1C05  }
0xe8: {  	[timem:s3], [sflag:s2] =	dma.local @!p0 [hbm:s0], s1  }
0xe9: {  	s0 =	simm.s32 @!p0 $0x5  }
0xea: {  	_ =	swait.ge @!p0 [sflag:s0], s1  }
0xeb: {  	s1 =	ssub.s32 @!p0 $0x0, s1;
	[sflag:s0] =	ssyncset.done @!p0 $0x0  }
0xec: {  	[sflag:s0] =	ssyncadd.s32 @!p0 s1  }
0xed: {  	[bflag:$0x3] =	sbarrier.arrive $0xFFFF  }
0xee: {  	_ =	shalt  }

</sc_bundles>
